<compile_context>
chip_gen: v7x
topology: tpu7x:2x2x1
jax: 0.10.2.dev20260603
libtpu: 0.0.44.dev20260713+nightly
codegen_flags: <defaults>
</compile_context>

<pallas_src>
import functools

import jax
import jax.numpy as jnp
from jax import lax
from jax.experimental import pallas as pl
from jax.experimental.pallas import tpu as pltpu
from jax.experimental.pallas import tpu_sc as plsc

_N = 320000
_D = 128
_S = 10000
_SP = 10240
_NC = 2
_NS = 16
_NW = _NC * _NS
_BLK = 128
_NBLK = _N // _BLK
_FULL = _NBLK // _NW
_EXTRA = _NBLK - _FULL * _NW
_RPT = _SP // _NS

_mesh = plsc.VectorSubcoreMesh(core_axis_name="c", subcore_axis_name="s")


@functools.partial(
    pl.kernel,
    out_type=[
        jax.ShapeDtypeStruct((_NC, _SP, _D), jnp.float32),
        jax.ShapeDtypeStruct((_NC, 1, _SP), jnp.float32),
    ],
    mesh=_mesh,
    scratch_types=[
        pltpu.VMEM((_BLK, _D), jnp.float32),
        pltpu.VMEM((_BLK, _D), jnp.float32),
        pltpu.VMEM((4, _BLK), jnp.int32),
        pltpu.VMEM((_BLK,), jnp.float32),
        pltpu.VMEM_SHARED((_SP, _D), jnp.float32),
        pltpu.VMEM_SHARED((_SP,), jnp.float32),
    ] + [pltpu.SemaphoreType.DMA] * 10,
)
def _segsum_sc(rows_hbm, lab_hbm, zrows_hbm, zcnt_hbm, out_hbm, cnt_hbm,
               rows_v0, rows_v1, idx_v, ones_v, acc, cnt,
               lr0, lr1, li0, li1, li2, li3, sc0, sc1, sc2, sc3):
    c = lax.axis_index("c")
    s = lax.axis_index("s")
    w = s * _NC + c
    rows_bufs = (rows_v0, rows_v1)
    rsems = (lr0, lr1)
    isems = (li0, li1, li2, li3)
    csems = (sc0, sc1, sc2, sc3)

    base = s * _RPT
    pltpu.sync_copy(zrows_hbm.at[pl.ds(base, _RPT)],
                    acc.at[pl.ds(base, _RPT)])

    @pl.when(s == 0)
    def _():
        pltpu.sync_copy(zcnt_hbm, cnt)

    plsc.subcore_barrier()

    for j in range(_D // 16):
        ones_v[pl.ds(j * 16, 16)] = jnp.ones((16,), jnp.float32)

    def _start_load(k, par2, par4):
        boff = (w + k * _NW) * _BLK
        pltpu.make_async_copy(lab_hbm.at[pl.ds(boff, _BLK)],
                              idx_v.at[par4], isems[par4]).start()
        pltpu.make_async_copy(rows_hbm.at[pl.ds(boff, _BLK)],
                              rows_bufs[par2], rsems[par2]).start()

    def _wait_load(k, par2, par4):
        boff = (w + k * _NW) * _BLK
        pltpu.make_async_copy(lab_hbm.at[pl.ds(boff, _BLK)],
                              idx_v.at[par4], isems[par4]).wait()
        pltpu.make_async_copy(rows_hbm.at[pl.ds(boff, _BLK)],
                              rows_bufs[par2], rsems[par2]).wait()

    def _wait_cnt(par4):
        pltpu.make_async_copy(ones_v, cnt.at[idx_v.at[par4]],
                              csems[par4]).wait()

    def _step(k, par2, par4, first, more):
        _wait_load(k, par2, par4)
        pltpu.sync_copy(rows_bufs[par2], acc.at[idx_v.at[par4]], add=True)
        if not first:
            _wait_cnt((par4 + 2) % 4)
        pltpu.async_copy(ones_v, cnt.at[idx_v.at[par4]], csems[par4],
                         add=True)
        if more:
            _start_load(k + 2, par2, (par4 + 2) % 4)

    _start_load(0, 0, 0)
    _start_load(1, 1, 1)

    def outer_guarded(i, carry):
        for par4 in range(4):
            k = 4 * i + par4

            def do_wait(kk=k, p4=par4):
                _wait_cnt((p4 + 2) % 4)

            _wait_load(k, par4 % 2, par4)
            pltpu.sync_copy(rows_bufs[par4 % 2], acc.at[idx_v.at[par4]],
                            add=True)

            @pl.when(k >= 2)
            def _():
                do_wait()

            pltpu.async_copy(ones_v, cnt.at[idx_v.at[par4]], csems[par4],
                             add=True)

            @pl.when(k + 2 < _FULL)
            def _():
                _start_load(k + 2, par4 % 2, (par4 + 2) % 4)
        return carry

    lax.fori_loop(0, _FULL // 4, outer_guarded, 0)

    _step(_FULL - 2, 0, 0, first=False, more=False)
    _step(_FULL - 1, 1, 1, first=False, more=False)

    _wait_cnt((_FULL - 2) % 4)
    _wait_cnt((_FULL - 1) % 4)

    @pl.when(w < _EXTRA)
    def _():
        boff = (_NW * _FULL + w) * _BLK
        pltpu.sync_copy(lab_hbm.at[pl.ds(boff, _BLK)], idx_v.at[0])
        pltpu.sync_copy(rows_hbm.at[pl.ds(boff, _BLK)], rows_v0)
        pltpu.sync_copy(rows_v0, acc.at[idx_v.at[0]], add=True)
        pltpu.sync_copy(ones_v, cnt.at[idx_v.at[0]], add=True)

    plsc.subcore_barrier()

    pltpu.sync_copy(acc.at[pl.ds(base, _RPT)],
                    out_hbm.at[c, pl.ds(base, _RPT)])

    @pl.when(s == 0)
    def _():
        pltpu.sync_copy(cnt, cnt_hbm.at[c, 0])


def _tc_body(p_ref, c_ref, we_ref, be_ref, wr_ref, br_ref, o_ref):
    psum = (p_ref[0] + p_ref[1])[: _S]
    wc = jnp.dot(we_ref[...], wr_ref[...], preferred_element_type=jnp.float32)
    bv = be_ref[...] @ wr_ref[...] + br_ref[...]
    counts = (c_ref[0, 0] + c_ref[1, 0])[: _S]
    o_ref[...] = (jnp.dot(psum, wc, preferred_element_type=jnp.float32)
                  + counts[:, None] * bv[None, :])


_tc_final = pl.pallas_call(
    _tc_body,
    out_shape=jax.ShapeDtypeStruct((_S, _D), jnp.float32),
)


@jax.jit
def kernel(inputs, labels, W_emb, b_emb, W_red, b_red):
    lab = labels.reshape(_N)
    zrows = jnp.zeros((_SP, _D), jnp.float32)
    zcnt = jnp.zeros((_SP,), jnp.float32)
    partials, cnts = _segsum_sc(inputs, lab, zrows, zcnt)
    return _tc_final(partials, cnts, W_emb, b_emb, W_red, b_red)

# --- scband reference (transcript-rebuilt; emitter-appended) ---
"""Pipeline reference for scband-task-reduction-70454643524172 (READ-ONLY COPY).

The authoritative reference and input builder live on the scoring server;
editing this copy changes nothing except your own understanding.
"""

import jax, jax.numpy as jnp
import numpy as np

NUM_SEGMENTS = 10000
N = 320000
D = 128

def setup_inputs(seed: int = 0) -> dict:
    key = jax.random.key(seed)
    k1, k2, k3, k4 = jax.random.split(key, 4)
    inputs = jax.random.normal(k1, (N, D), dtype=jnp.float32)
    # labels: int[N, 1, 1], sorted so segments are contiguous (torch code preserves first-seen order of unique labels; sorting makes that order == label id)
    labels = jnp.sort(jax.random.randint(k2, (N, 1, 1), 0, NUM_SEGMENTS, dtype=jnp.int32), axis=0)
    # embedding = Linear(D, D); reduction(acc, elem) = acc + Linear(D, D)(elem)
    W_emb = jax.random.normal(k3, (D, D), dtype=jnp.float32) * 0.05
    b_emb = jnp.zeros((D,), dtype=jnp.float32)
    W_red = jax.random.normal(k4, (D, D), dtype=jnp.float32) * 0.05
    b_red = jnp.zeros((D,), dtype=jnp.float32)
    return {"inputs": inputs, "labels": labels, "W_emb": W_emb, "b_emb": b_emb, "W_red": W_red, "b_red": b_red}

def reference(inputs, labels, W_emb, b_emb, W_red, b_red):
    # TaskReduction.forward(task=(inputs, labels)):
    #   input_representation = self.embedding(inputs)
    #   for each unique label: result[idx] = fold(reduction, embeddings with that label, init=0)
    # With reduction(acc, elem) = acc + Linear(elem), the fold is exactly a per-label
    # segment-sum of Linear(embedding(x)) starting from zeros.
    seg = labels[:, 0, 0]                          # mask = (labels == label)[:, 0, 0]
    emb = inputs @ W_emb + b_emb                   # self.embedding(inputs)
    red = emb @ W_red + b_red                      # Linear part of reduction applied per element
    result = jax.ops.segment_sum(red, seg, num_segments=NUM_SEGMENTS)  # torch.zeros(num_labels, d) accumulated
    return result

if __name__ == "__main__":
    import jax
    _d = setup_inputs()
    print(jax.jit(kernel)(*tuple(_d.values())))

</pallas_src>

<mosaic_0001>
#map = affine_map<(d0, d1) -> (0, 0)>
#map1 = affine_map<(d0, d1) -> (0)>
#map2 = affine_map<(d0, d1) -> (0, 0, 0)>
module attributes {stable_mosaic.version = 14 : i64} {
  func.func @_segsum_sc(%arg0: i32, %arg1: i32, %arg2: memref<320000x128xf32, #tpu.memory_space<hbm>>, %arg3: memref<320000xi32, #tpu.memory_space<hbm>>, %arg4: memref<10240x128xf32, #tpu.memory_space<hbm>>, %arg5: memref<10240xf32, #tpu.memory_space<hbm>>, %arg6: memref<2x10240x128xf32, #tpu.memory_space<hbm>>, %arg7: memref<2x1x10240xf32, #tpu.memory_space<hbm>>, %arg8: memref<128x128xf32, #tpu.memory_space<vmem>>, %arg9: memref<128x128xf32, #tpu.memory_space<vmem>>, %arg10: memref<4x128xi32, #tpu.memory_space<vmem>>, %arg11: memref<128xf32, #tpu.memory_space<vmem>>, %arg12: memref<10240x128xf32, #tpu.memory_space<vmem_shared>>, %arg13: memref<10240xf32, #tpu.memory_space<vmem_shared>>, %arg14: memref<!tpu.dma_semaphore, #tpu.memory_space<semaphore_mem>>, %arg15: memref<!tpu.dma_semaphore, #tpu.memory_space<semaphore_mem>>, %arg16: memref<!tpu.dma_semaphore, #tpu.memory_space<semaphore_mem>>, %arg17: memref<!tpu.dma_semaphore, #tpu.memory_space<semaphore_mem>>, %arg18: memref<!tpu.dma_semaphore, #tpu.memory_space<semaphore_mem>>, %arg19: memref<!tpu.dma_semaphore, #tpu.memory_space<semaphore_mem>>, %arg20: memref<!tpu.dma_semaphore, #tpu.memory_space<semaphore_mem>>, %arg21: memref<!tpu.dma_semaphore, #tpu.memory_space<semaphore_mem>>, %arg22: memref<!tpu.dma_semaphore, #tpu.memory_space<semaphore_mem>>, %arg23: memref<!tpu.dma_semaphore, #tpu.memory_space<semaphore_mem>>) attributes {dimension_semantics = [#tpu.dimension_semantics<core_parallel>, #tpu.dimension_semantics<subcore_parallel>], iteration_bounds = array<i64: 2, 16>, scalar_prefetch = 0 : i64, scratch_operands = 16 : i64, tpu.core_type = #tpu.core_type<sc_vector_subcore>, window_params = [{transform_indices = #map}, {transform_indices = #map1}, {transform_indices = #map}, {transform_indices = #map1}, {transform_indices = #map2}, {transform_indices = #map2}]} {
    %mul3A = arith.constant 2 : i32
    %mul3A_0 = arith.muli %arg1, %mul3A : i32
    %add3A = arith.addi %mul3A_0, %arg0 : i32
    %mul3A_1 = arith.constant 640 : i32
    %mul3A_2 = arith.muli %arg1, %mul3A_1 : i32
    "tpu.region"() ({
      %run_scoped3A_169 = tpu.sem_alloc : memref<!tpu.dma_semaphore, #tpu.memory_space<semaphore_mem>>
      %dma_start3A_170 = arith.constant 0 : i32
      %dma_start3A_171 = tpu.memref_slice %arg12[%mul3A_2, %dma_start3A_170] : memref<10240x128xf32, #tpu.memory_space<vmem_shared>> -> memref<640x128xf32, #tpu.memory_space<vmem_shared>>
      %dma_start3A_172 = arith.constant 0 : i32
      %dma_start3A_173 = tpu.memref_slice %arg4[%mul3A_2, %dma_start3A_172] : memref<10240x128xf32, #tpu.memory_space<hbm>> -> memref<640x128xf32, #tpu.memory_space<hbm>>
      tpu.enqueue_dma source(%dma_start3A_173 : memref<640x128xf32, #tpu.memory_space<hbm>>) target(%dma_start3A_171 : memref<640x128xf32, #tpu.memory_space<vmem_shared>>) target_semaphore(%run_scoped3A_169 : memref<!tpu.dma_semaphore, #tpu.memory_space<semaphore_mem>>)
      %dma_wait3A_174 = arith.constant 0 : i32
      %dma_wait3A_175 = tpu.memref_slice %arg12[%mul3A_2, %dma_wait3A_174] : memref<10240x128xf32, #tpu.memory_space<vmem_shared>> -> memref<640x128xf32, #tpu.memory_space<vmem_shared>>
      %dma_wait3A_176 = arith.constant 0 : i32
      %dma_wait3A_177 = tpu.memref_slice %arg4[%mul3A_2, %dma_wait3A_176] : memref<10240x128xf32, #tpu.memory_space<hbm>> -> memref<640x128xf32, #tpu.memory_space<hbm>>
      tpu.wait_dma2 semaphore(%run_scoped3A_169 : memref<!tpu.dma_semaphore, #tpu.memory_space<semaphore_mem>>) src(%dma_wait3A_177 : memref<640x128xf32, #tpu.memory_space<hbm>>) dst(%dma_wait3A_175 : memref<640x128xf32, #tpu.memory_space<vmem_shared>>)
      tpu.yield
    }) : () -> ()
    %eq3A = arith.constant 0 : i32
    %eq3A_3 = arith.cmpi eq, %arg1, %eq3A : i32
    %convert_element_type3A = arith.extui %eq3A_3 : i1 to i32
    %cond3A = arith.constant 0 : i32
    %cond3A_4 = arith.cmpi ne, %convert_element_type3A, %cond3A : i32
    scf.if %cond3A_4 {
      "tpu.region"() ({
        %run_scoped3A_169 = tpu.sem_alloc : memref<!tpu.dma_semaphore, #tpu.memory_space<semaphore_mem>>
        tpu.enqueue_dma source(%arg5 : memref<10240xf32, #tpu.memory_space<hbm>>) target(%arg13 : memref<10240xf32, #tpu.memory_space<vmem_shared>>) target_semaphore(%run_scoped3A_169 : memref<!tpu.dma_semaphore, #tpu.memory_space<semaphore_mem>>)
        tpu.wait_dma2 semaphore(%run_scoped3A_169 : memref<!tpu.dma_semaphore, #tpu.memory_space<semaphore_mem>>) src(%arg5 : memref<10240xf32, #tpu.memory_space<hbm>>) dst(%arg13 : memref<10240xf32, #tpu.memory_space<vmem_shared>>)
        tpu.yield
      }) : () -> ()
    } else {
    }
    %barrier3A = arith.constant 0 : index
    tpu.barrier barrier_id(%barrier3A)
    %broadcast_in_dim3A = arith.constant 1.000000e+00 : f32
    %broadcast_in_dim3A_5 = vector.broadcast %broadcast_in_dim3A : f32 to vector<16xf32>
    %swap3A = arith.constant 0 : index
    %swap3A_6 = tpu.vector_load %arg11[%swap3A] {strides = array<i32>} : memref<128xf32, #tpu.memory_space<vmem>>, vector<16xf32>,
    %swap3A_7 = vector.shape_cast %swap3A_6 : vector<16xf32> to vector<16xf32>
    %swap3A_8 = vector.shape_cast %broadcast_in_dim3A_5 : vector<16xf32> to vector<16xf32>
    tpu.vector_store %arg11[%swap3A], %swap3A_8 {strides = array<i32>} : memref<128xf32, #tpu.memory_space<vmem>>, vector<16xf32>,
    %broadcast_in_dim3A_9 = arith.constant 1.000000e+00 : f32
    %broadcast_in_dim3A_10 = vector.broadcast %broadcast_in_dim3A_9 : f32 to vector<16xf32>
    %swap3A_11 = arith.constant 16 : index
    %swap3A_12 = tpu.vector_load %arg11[%swap3A_11] {strides = array<i32>} : memref<128xf32, #tpu.memory_space<vmem>>, vector<16xf32>,
    %swap3A_13 = vector.shape_cast %swap3A_12 : vector<16xf32> to vector<16xf32>
    %swap3A_14 = vector.shape_cast %broadcast_in_dim3A_10 : vector<16xf32> to vector<16xf32>
    tpu.vector_store %arg11[%swap3A_11], %swap3A_14 {strides = array<i32>} : memref<128xf32, #tpu.memory_space<vmem>>, vector<16xf32>,
    %broadcast_in_dim3A_15 = arith.constant 1.000000e+00 : f32
    %broadcast_in_dim3A_16 = vector.broadcast %broadcast_in_dim3A_15 : f32 to vector<16xf32>
    %swap3A_17 = arith.constant 32 : index
    %swap3A_18 = tpu.vector_load %arg11[%swap3A_17] {strides = array<i32>} : memref<128xf32, #tpu.memory_space<vmem>>, vector<16xf32>,
    %swap3A_19 = vector.shape_cast %swap3A_18 : vector<16xf32> to vector<16xf32>
    %swap3A_20 = vector.shape_cast %broadcast_in_dim3A_16 : vector<16xf32> to vector<16xf32>
    tpu.vector_store %arg11[%swap3A_17], %swap3A_20 {strides = array<i32>} : memref<128xf32, #tpu.memory_space<vmem>>, vector<16xf32>,
    %broadcast_in_dim3A_21 = arith.constant 1.000000e+00 : f32
    %broadcast_in_dim3A_22 = vector.broadcast %broadcast_in_dim3A_21 : f32 to vector<16xf32>
    %swap3A_23 = arith.constant 48 : index
    %swap3A_24 = tpu.vector_load %arg11[%swap3A_23] {strides = array<i32>} : memref<128xf32, #tpu.memory_space<vmem>>, vector<16xf32>,
    %swap3A_25 = vector.shape_cast %swap3A_24 : vector<16xf32> to vector<16xf32>
    %swap3A_26 = vector.shape_cast %broadcast_in_dim3A_22 : vector<16xf32> to vector<16xf32>
    tpu.vector_store %arg11[%swap3A_23], %swap3A_26 {strides = array<i32>} : memref<128xf32, #tpu.memory_space<vmem>>, vector<16xf32>,
    %broadcast_in_dim3A_27 = arith.constant 1.000000e+00 : f32
    %broadcast_in_dim3A_28 = vector.broadcast %broadcast_in_dim3A_27 : f32 to vector<16xf32>
    %swap3A_29 = arith.constant 64 : index
    %swap3A_30 = tpu.vector_load %arg11[%swap3A_29] {strides = array<i32>} : memref<128xf32, #tpu.memory_space<vmem>>, vector<16xf32>,
    %swap3A_31 = vector.shape_cast %swap3A_30 : vector<16xf32> to vector<16xf32>
    %swap3A_32 = vector.shape_cast %broadcast_in_dim3A_28 : vector<16xf32> to vector<16xf32>
    tpu.vector_store %arg11[%swap3A_29], %swap3A_32 {strides = array<i32>} : memref<128xf32, #tpu.memory_space<vmem>>, vector<16xf32>,
    %broadcast_in_dim3A_33 = arith.constant 1.000000e+00 : f32
    %broadcast_in_dim3A_34 = vector.broadcast %broadcast_in_dim3A_33 : f32 to vector<16xf32>
    %swap3A_35 = arith.constant 80 : index
    %swap3A_36 = tpu.vector_load %arg11[%swap3A_35] {strides = array<i32>} : memref<128xf32, #tpu.memory_space<vmem>>, vector<16xf32>,
    %swap3A_37 = vector.shape_cast %swap3A_36 : vector<16xf32> to vector<16xf32>
    %swap3A_38 = vector.shape_cast %broadcast_in_dim3A_34 : vector<16xf32> to vector<16xf32>
    tpu.vector_store %arg11[%swap3A_35], %swap3A_38 {strides = array<i32>} : memref<128xf32, #tpu.memory_space<vmem>>, vector<16xf32>,
    %broadcast_in_dim3A_39 = arith.constant 1.000000e+00 : f32
    %broadcast_in_dim3A_40 = vector.broadcast %broadcast_in_dim3A_39 : f32 to vector<16xf32>
    %swap3A_41 = arith.constant 96 : index
    %swap3A_42 = tpu.vector_load %arg11[%swap3A_41] {strides = array<i32>} : memref<128xf32, #tpu.memory_space<vmem>>, vector<16xf32>,
    %swap3A_43 = vector.shape_cast %swap3A_42 : vector<16xf32> to vector<16xf32>
    %swap3A_44 = vector.shape_cast %broadcast_in_dim3A_40 : vector<16xf32> to vector<16xf32>
    tpu.vector_store %arg11[%swap3A_41], %swap3A_44 {strides = array<i32>} : memref<128xf32, #tpu.memory_space<vmem>>, vector<16xf32>,
    %broadcast_in_dim3A_45 = arith.constant 1.000000e+00 : f32
    %broadcast_in_dim3A_46 = vector.broadcast %broadcast_in_dim3A_45 : f32 to vector<16xf32>
    %swap3A_47 = arith.constant 112 : index
    %swap3A_48 = tpu.vector_load %arg11[%swap3A_47] {strides = array<i32>} : memref<128xf32, #tpu.memory_space<vmem>>, vector<16xf32>,
    %swap3A_49 = vector.shape_cast %swap3A_48 : vector<16xf32> to vector<16xf32>
    %swap3A_50 = vector.shape_cast %broadcast_in_dim3A_46 : vector<16xf32> to vector<16xf32>
    tpu.vector_store %arg11[%swap3A_47], %swap3A_50 {strides = array<i32>} : memref<128xf32, #tpu.memory_space<vmem>>, vector<16xf32>,
    %add3A_51 = arith.constant 0 : i32
    %add3A_52 = arith.addi %add3A, %add3A_51 : i32
    %mul3A_53 = arith.constant 128 : i32
    %mul3A_54 = arith.muli %add3A_52, %mul3A_53 : i32
    %dma_start3A = arith.constant 0 : i32
    %dma_start3A_55 = arith.constant 0 : i32
    %dma_start3A_56 = tpu.memref_slice %arg10[%dma_start3A, %dma_start3A_55] : memref<4x128xi32, #tpu.memory_space<vmem>> -> memref<1x128xi32, #tpu.memory_space<vmem>>
    %dma_start3A_57 = tpu.memref_squeeze %dma_start3A_56 : memref<1x128xi32, #tpu.memory_space<vmem>> -> memref<128xi32, #tpu.memory_space<vmem>>
    %dma_start3A_58 = tpu.memref_slice %arg3[%mul3A_54] : memref<320000xi32, #tpu.memory_space<hbm>> -> memref<128xi32, #tpu.memory_space<hbm>>
    %dma_start3A_59 = arith.constant 0 : i32
    %dma_start3A_60 = tpu.memref_slice %arg10[%dma_start3A, %dma_start3A_59] : memref<4x128xi32, #tpu.memory_space<vmem>> -> memref<1x128xi32, #tpu.memory_space<vmem>>
    %dma_start3A_61 = tpu.memref_squeeze %dma_start3A_60 : memref<1x128xi32, #tpu.memory_space<vmem>> -> memref<128xi32, #tpu.memory_space<vmem>>
    %dma_start3A_62 = tpu.memref_slice %arg3[%mul3A_54] : memref<320000xi32, #tpu.memory_space<hbm>> -> memref<128xi32, #tpu.memory_space<hbm>>
    tpu.enqueue_dma source(%dma_start3A_62 : memref<128xi32, #tpu.memory_space<hbm>>) target(%dma_start3A_61 : memref<128xi32, #tpu.memory_space<vmem>>) target_semaphore(%arg16 : memref<!tpu.dma_semaphore, #tpu.memory_space<semaphore_mem>>)
    %dma_start3A_63 = arith.constant 0 : i32
    %dma_start3A_64 = tpu.memref_slice %arg2[%mul3A_54, %dma_start3A_63] : memref<320000x128xf32, #tpu.memory_space<hbm>> -> memref<128x128xf32, #tpu.memory_space<hbm>>
    %dma_start3A_65 = arith.constant 0 : i32
    %dma_start3A_66 = tpu.memref_slice %arg2[%mul3A_54, %dma_start3A_65] : memref<320000x128xf32, #tpu.memory_space<hbm>> -> memref<128x128xf32, #tpu.memory_space<hbm>>
    tpu.enqueue_dma source(%dma_start3A_66 : memref<128x128xf32, #tpu.memory_space<hbm>>) target(%arg8 : memref<128x128xf32, #tpu.memory_space<vmem>>) target_semaphore(%arg14 : memref<!tpu.dma_semaphore, #tpu.memory_space<semaphore_mem>>)
    %add3A_67 = arith.constant 32 : i32
    %add3A_68 = arith.addi %add3A, %add3A_67 : i32
    %mul3A_69 = arith.constant 128 : i32
    %mul3A_70 = arith.muli %add3A_68, %mul3A_69 : i32
    %dma_start3A_71 = arith.constant 1 : i32
    %dma_start3A_72 = arith.constant 0 : i32
    %dma_start3A_73 = tpu.memref_slice %arg10[%dma_start3A_71, %dma_start3A_72] : memref<4x128xi32, #tpu.memory_space<vmem>> -> memref<1x128xi32, #tpu.memory_space<vmem>>
    %dma_start3A_74 = tpu.memref_squeeze %dma_start3A_73 : memref<1x128xi32, #tpu.memory_space<vmem>> -> memref<128xi32, #tpu.memory_space<vmem>>
    %dma_start3A_75 = tpu.memref_slice %arg3[%mul3A_70] : memref<320000xi32, #tpu.memory_space<hbm>> -> memref<128xi32, #tpu.memory_space<hbm>>
    %dma_start3A_76 = arith.constant 0 : i32
    %dma_start3A_77 = tpu.memref_slice %arg10[%dma_start3A_71, %dma_start3A_76] : memref<4x128xi32, #tpu.memory_space<vmem>> -> memref<1x128xi32, #tpu.memory_space<vmem>>
    %dma_start3A_78 = tpu.memref_squeeze %dma_start3A_77 : memref<1x128xi32, #tpu.memory_space<vmem>> -> memref<128xi32, #tpu.memory_space<vmem>>
    %dma_start3A_79 = tpu.memref_slice %arg3[%mul3A_70] : memref<320000xi32, #tpu.memory_space<hbm>> -> memref<128xi32, #tpu.memory_space<hbm>>
    tpu.enqueue_dma source(%dma_start3A_79 : memref<128xi32, #tpu.memory_space<hbm>>) target(%dma_start3A_78 : memref<128xi32, #tpu.memory_space<vmem>>) target_semaphore(%arg17 : memref<!tpu.dma_semaphore, #tpu.memory_space<semaphore_mem>>)
    %dma_start3A_80 = arith.constant 0 : i32
    %dma_start3A_81 = tpu.memref_slice %arg2[%mul3A_70, %dma_start3A_80] : memref<320000x128xf32, #tpu.memory_space<hbm>> -> memref<128x128xf32, #tpu.memory_space<hbm>>
    %dma_start3A_82 = arith.constant 0 : i32
    %dma_start3A_83 = tpu.memref_slice %arg2[%mul3A_70, %dma_start3A_82] : memref<320000x128xf32, #tpu.memory_space<hbm>> -> memref<128x128xf32, #tpu.memory_space<hbm>>
    tpu.enqueue_dma source(%dma_start3A_83 : memref<128x128xf32, #tpu.memory_space<hbm>>) target(%arg9 : memref<128x128xf32, #tpu.memory_space<vmem>>) target_semaphore(%arg15 : memref<!tpu.dma_semaphore, #tpu.memory_space<semaphore_mem>>)
    %scan3A = arith.constant 0 : i32
    %scan3A_84 = arith.constant 0 : i32
    %scan3A_85 = arith.constant 19 : i32
    %scan3A_86 = arith.addi %scan3A_84, %scan3A_85 : i32
    %scan3A_87 = arith.constant 1 : i32
    scf.for %scan3A_169 = %scan3A_84 to %scan3A_86 step %scan3A_87  : i32 {
      %mul3A_170 = arith.constant 4 : i32
      %mul3A_171 = arith.muli %mul3A_170, %scan3A_169 : i32
      %add3A_172 = arith.constant 0 : i32
      %add3A_173 = arith.addi %mul3A_171, %add3A_172 : i32
      %mul3A_174 = arith.constant 32 : i32
      %mul3A_175 = arith.muli %add3A_173, %mul3A_174 : i32
      %add3A_176 = arith.addi %add3A, %mul3A_175 : i32
      %mul3A_177 = arith.constant 128 : i32
      %mul3A_178 = arith.muli %add3A_176, %mul3A_177 : i32
      %dma_wait3A_179 = arith.constant 0 : i32
      %dma_wait3A_180 = arith.constant 0 : i32
      %dma_wait3A_181 = tpu.memref_slice %arg10[%dma_wait3A_179, %dma_wait3A_180] : memref<4x128xi32, #tpu.memory_space<vmem>> -> memref<1x128xi32, #tpu.memory_space<vmem>>
      %dma_wait3A_182 = tpu.memref_squeeze %dma_wait3A_181 : memref<1x128xi32, #tpu.memory_space<vmem>> -> memref<128xi32, #tpu.memory_space<vmem>>
      %dma_wait3A_183 = tpu.memref_slice %arg3[%mul3A_178] : memref<320000xi32, #tpu.memory_space<hbm>> -> memref<128xi32, #tpu.memory_space<hbm>>
      %dma_wait3A_184 = arith.constant 0 : i32
      %dma_wait3A_185 = tpu.memref_slice %arg10[%dma_wait3A_179, %dma_wait3A_184] : memref<4x128xi32, #tpu.memory_space<vmem>> -> memref<1x128xi32, #tpu.memory_space<vmem>>
      %dma_wait3A_186 = tpu.memref_squeeze %dma_wait3A_185 : memref<1x128xi32, #tpu.memory_space<vmem>> -> memref<128xi32, #tpu.memory_space<vmem>>
      %dma_wait3A_187 = tpu.memref_slice %arg3[%mul3A_178] : memref<320000xi32, #tpu.memory_space<hbm>> -> memref<128xi32, #tpu.memory_space<hbm>>
      tpu.wait_dma2 semaphore(%arg16 : memref<!tpu.dma_semaphore, #tpu.memory_space<semaphore_mem>>) src(%dma_wait3A_187 : memref<128xi32, #tpu.memory_space<hbm>>) dst(%dma_wait3A_186 : memref<128xi32, #tpu.memory_space<vmem>>)
      %dma_wait3A_188 = arith.constant 0 : i32
      %dma_wait3A_189 = tpu.memref_slice %arg2[%mul3A_178, %dma_wait3A_188] : memref<320000x128xf32, #tpu.memory_space<hbm>> -> memref<128x128xf32, #tpu.memory_space<hbm>>
      %dma_wait3A_190 = arith.constant 0 : i32
      %dma_wait3A_191 = tpu.memref_slice %arg2[%mul3A_178, %dma_wait3A_190] : memref<320000x128xf32, #tpu.memory_space<hbm>> -> memref<128x128xf32, #tpu.memory_space<hbm>>
      tpu.wait_dma2 semaphore(%arg14 : memref<!tpu.dma_semaphore, #tpu.memory_space<semaphore_mem>>) src(%dma_wait3A_191 : memref<128x128xf32, #tpu.memory_space<hbm>>) dst(%arg8 : memref<128x128xf32, #tpu.memory_space<vmem>>)
      %run_scoped3A_192 = arith.constant 0 : i32
      "tpu.region"() ({
        %run_scoped3A_333 = tpu.sem_alloc : memref<!tpu.dma_semaphore, #tpu.memory_space<semaphore_mem>>
        %dma_start3A_334 = arith.constant 0 : i32
        %dma_start3A_335 = tpu.memref_slice %arg10[%run_scoped3A_192, %dma_start3A_334] : memref<4x128xi32, #tpu.memory_space<vmem>> -> memref<1x128xi32, #tpu.memory_space<vmem>>
        %dma_start3A_336 = tpu.memref_squeeze %dma_start3A_335 : memref<1x128xi32, #tpu.memory_space<vmem>> -> memref<128xi32, #tpu.memory_space<vmem>>
        %dma_start3A_337 = arith.constant 0 : i32
        %dma_start3A_338 = arith.constant 0 : i32
        %dma_start3A_339 = tpu.memref_slice %arg12[%dma_start3A_337, %dma_start3A_338] : memref<10240x128xf32, #tpu.memory_space<vmem_shared>> -> memref<10240x128xf32, #tpu.memory_space<vmem_shared>>
        tpu.enqueue_indirect_dma source(%arg8 : memref<128x128xf32, #tpu.memory_space<vmem>>) target(%dma_start3A_339 : memref<10240x128xf32, #tpu.memory_space<vmem_shared>>) offsets(%dma_start3A_336 : memref<128xi32, #tpu.memory_space<vmem>>) semaphore(%run_scoped3A_333 : memref<!tpu.dma_semaphore, #tpu.memory_space<semaphore_mem>>) {add = true}
        %dma_wait3A_340 = arith.constant 0 : i32
        %dma_wait3A_341 = tpu.memref_slice %arg10[%run_scoped3A_192, %dma_wait3A_340] : memref<4x128xi32, #tpu.memory_space<vmem>> -> memref<1x128xi32, #tpu.memory_space<vmem>>
        %dma_wait3A_342 = tpu.memref_squeeze %dma_wait3A_341 : memref<1x128xi32, #tpu.memory_space<vmem>> -> memref<128xi32, #tpu.memory_space<vmem>>
        %dma_wait3A_343 = arith.constant 0 : i32
        %dma_wait3A_344 = arith.constant 0 : i32
        %dma_wait3A_345 = tpu.memref_slice %arg12[%dma_wait3A_343, %dma_wait3A_344] : memref<10240x128xf32, #tpu.memory_space<vmem_shared>> -> memref<10240x128xf32, #tpu.memory_space<vmem_shared>>
        tpu.wait_indirect_dma semaphore(%run_scoped3A_333 : memref<!tpu.dma_semaphore, #tpu.memory_space<semaphore_mem>>) src(%arg8 : memref<128x128xf32, #tpu.memory_space<vmem>>) dst(%dma_wait3A_345 : memref<10240x128xf32, #tpu.memory_space<vmem_shared>>)
        tpu.yield
      }) : () -> ()
      %ge3A = arith.constant 2 : i32
      %ge3A_193 = arith.cmpi sge, %add3A_173, %ge3A : i32
      %convert_element_type3A_194 = arith.extui %ge3A_193 : i1 to i32
      %cond3A_195 = arith.constant 0 : i32
      %cond3A_196 = arith.cmpi ne, %convert_element_type3A_194, %cond3A_195 : i32
      scf.if %cond3A_196 {
        %dma_wait3A_333 = arith.constant 2 : i32
        %dma_wait3A_334 = arith.constant 0 : i32
        %dma_wait3A_335 = tpu.memref_slice %arg10[%dma_wait3A_333, %dma_wait3A_334] : memref<4x128xi32, #tpu.memory_space<vmem>> -> memref<1x128xi32, #tpu.memory_space<vmem>>
        %dma_wait3A_336 = tpu.memref_squeeze %dma_wait3A_335 : memref<1x128xi32, #tpu.memory_space<vmem>> -> memref<128xi32, #tpu.memory_space<vmem>>
        %dma_wait3A_337 = arith.constant 0 : i32
        %dma_wait3A_338 = tpu.memref_slice %arg13[%dma_wait3A_337] : memref<10240xf32, #tpu.memory_space<vmem_shared>> -> memref<10240xf32, #tpu.memory_space<vmem_shared>>
        tpu.wait_indirect_dma semaphore(%arg22 : memref<!tpu.dma_semaphore, #tpu.memory_space<semaphore_mem>>) src(%arg11 : memref<128xf32, #tpu.memory_space<vmem>>) dst(%dma_wait3A_338 : memref<10240xf32, #tpu.memory_space<vmem_shared>>)
      } else {
      }
      %dma_start3A_197 = arith.constant 0 : i32
      %dma_start3A_198 = arith.constant 0 : i32
      %dma_start3A_199 = tpu.memref_slice %arg10[%dma_start3A_197, %dma_start3A_198] : memref<4x128xi32, #tpu.memory_space<vmem>> -> memref<1x128xi32, #tpu.memory_space<vmem>>
      %dma_start3A_200 = tpu.memref_squeeze %dma_start3A_199 : memref<1x128xi32, #tpu.memory_space<vmem>> -> memref<128xi32, #tpu.memory_space<vmem>>
      %dma_start3A_201 = arith.constant 0 : i32
      %dma_start3A_202 = tpu.memref_slice %arg13[%dma_start3A_201] : memref<10240xf32, #tpu.memory_space<vmem_shared>> -> memref<10240xf32, #tpu.memory_space<vmem_shared>>
      tpu.enqueue_indirect_dma source(%arg11 : memref<128xf32, #tpu.memory_space<vmem>>) target(%dma_start3A_202 : memref<10240xf32, #tpu.memory_space<vmem_shared>>) offsets(%dma_start3A_200 : memref<128xi32, #tpu.memory_space<vmem>>) semaphore(%arg20 : memref<!tpu.dma_semaphore, #tpu.memory_space<semaphore_mem>>) {add = true}
      %add3A_203 = arith.constant 2 : i32
      %add3A_204 = arith.addi %add3A_173, %add3A_203 : i32
      %lt3A_205 = arith.constant 78 : i32
      %lt3A_206 = arith.cmpi slt, %add3A_204, %lt3A_205 : i32
      %convert_element_type3A_207 = arith.extui %lt3A_206 : i1 to i32
      %cond3A_208 = arith.constant 0 : i32
      %cond3A_209 = arith.cmpi ne, %convert_element_type3A_207, %cond3A_208 : i32
      scf.if %cond3A_209 {
        %add3A_333 = arith.constant 2 : i32
        %add3A_334 = arith.addi %add3A_173, %add3A_333 : i32
        %mul3A_335 = arith.constant 32 : i32
        %mul3A_336 = arith.muli %add3A_334, %mul3A_335 : i32
        %add3A_337 = arith.addi %add3A, %mul3A_336 : i32
        %mul3A_338 = arith.constant 128 : i32
        %mul3A_339 = arith.muli %add3A_337, %mul3A_338 : i32
        %dma_start3A_340 = arith.constant 2 : i32
        %dma_start3A_341 = arith.constant 0 : i32
        %dma_start3A_342 = tpu.memref_slice %arg10[%dma_start3A_340, %dma_start3A_341] : memref<4x128xi32, #tpu.memory_space<vmem>> -> memref<1x128xi32, #tpu.memory_space<vmem>>
        %dma_start3A_343 = tpu.memref_squeeze %dma_start3A_342 : memref<1x128xi32, #tpu.memory_space<vmem>> -> memref<128xi32, #tpu.memory_space<vmem>>
        %dma_start3A_344 = tpu.memref_slice %arg3[%mul3A_339] : memref<320000xi32, #tpu.memory_space<hbm>> -> memref<128xi32, #tpu.memory_space<hbm>>
        %dma_start3A_345 = arith.constant 0 : i32
        %dma_start3A_346 = tpu.memref_slice %arg10[%dma_start3A_340, %dma_start3A_345] : memref<4x128xi32, #tpu.memory_space<vmem>> -> memref<1x128xi32, #tpu.memory_space<vmem>>
        %dma_start3A_347 = tpu.memref_squeeze %dma_start3A_346 : memref<1x128xi32, #tpu.memory_space<vmem>> -> memref<128xi32, #tpu.memory_space<vmem>>
        %dma_start3A_348 = tpu.memref_slice %arg3[%mul3A_339] : memref<320000xi32, #tpu.memory_space<hbm>> -> memref<128xi32, #tpu.memory_space<hbm>>
        tpu.enqueue_dma source(%dma_start3A_348 : memref<128xi32, #tpu.memory_space<hbm>>) target(%dma_start3A_347 : memref<128xi32, #tpu.memory_space<vmem>>) target_semaphore(%arg18 : memref<!tpu.dma_semaphore, #tpu.memory_space<semaphore_mem>>)
        %dma_start3A_349 = arith.constant 0 : i32
        %dma_start3A_350 = tpu.memref_slice %arg2[%mul3A_339, %dma_start3A_349] : memref<320000x128xf32, #tpu.memory_space<hbm>> -> memref<128x128xf32, #tpu.memory_space<hbm>>
        %dma_start3A_351 = arith.constant 0 : i32
        %dma_start3A_352 = tpu.memref_slice %arg2[%mul3A_339, %dma_start3A_351] : memref<320000x128xf32, #tpu.memory_space<hbm>> -> memref<128x128xf32, #tpu.memory_space<hbm>>
        tpu.enqueue_dma source(%dma_start3A_352 : memref<128x128xf32, #tpu.memory_space<hbm>>) target(%arg8 : memref<128x128xf32, #tpu.memory_space<vmem>>) target_semaphore(%arg14 : memref<!tpu.dma_semaphore, #tpu.memory_space<semaphore_mem>>)
      } else {
      }
      %mul3A_210 = arith.constant 4 : i32
      %mul3A_211 = arith.muli %mul3A_210, %scan3A_169 : i32
      %add3A_212 = arith.constant 1 : i32
      %add3A_213 = arith.addi %mul3A_211, %add3A_212 : i32
      %mul3A_214 = arith.constant 32 : i32
      %mul3A_215 = arith.muli %add3A_213, %mul3A_214 : i32
      %add3A_216 = arith.addi %add3A, %mul3A_215 : i32
      %mul3A_217 = arith.constant 128 : i32
      %mul3A_218 = arith.muli %add3A_216, %mul3A_217 : i32
      %dma_wait3A_219 = arith.constant 1 : i32
      %dma_wait3A_220 = arith.constant 0 : i32
      %dma_wait3A_221 = tpu.memref_slice %arg10[%dma_wait3A_219, %dma_wait3A_220] : memref<4x128xi32, #tpu.memory_space<vmem>> -> memref<1x128xi32, #tpu.memory_space<vmem>>
      %dma_wait3A_222 = tpu.memref_squeeze %dma_wait3A_221 : memref<1x128xi32, #tpu.memory_space<vmem>> -> memref<128xi32, #tpu.memory_space<vmem>>
      %dma_wait3A_223 = tpu.memref_slice %arg3[%mul3A_218] : memref<320000xi32, #tpu.memory_space<hbm>> -> memref<128xi32, #tpu.memory_space<hbm>>
      %dma_wait3A_224 = arith.constant 0 : i32
      %dma_wait3A_225 = tpu.memref_slice %arg10[%dma_wait3A_219, %dma_wait3A_224] : memref<4x128xi32, #tpu.memory_space<vmem>> -> memref<1x128xi32, #tpu.memory_space<vmem>>
      %dma_wait3A_226 = tpu.memref_squeeze %dma_wait3A_225 : memref<1x128xi32, #tpu.memory_space<vmem>> -> memref<128xi32, #tpu.memory_space<vmem>>
      %dma_wait3A_227 = tpu.memref_slice %arg3[%mul3A_218] : memref<320000xi32, #tpu.memory_space<hbm>> -> memref<128xi32, #tpu.memory_space<hbm>>
      tpu.wait_dma2 semaphore(%arg17 : memref<!tpu.dma_semaphore, #tpu.memory_space<semaphore_mem>>) src(%dma_wait3A_227 : memref<128xi32, #tpu.memory_space<hbm>>) dst(%dma_wait3A_226 : memref<128xi32, #tpu.memory_space<vmem>>)
      %dma_wait3A_228 = arith.constant 0 : i32
      %dma_wait3A_229 = tpu.memref_slice %arg2[%mul3A_218, %dma_wait3A_228] : memref<320000x128xf32, #tpu.memory_space<hbm>> -> memref<128x128xf32, #tpu.memory_space<hbm>>
      %dma_wait3A_230 = arith.constant 0 : i32
      %dma_wait3A_231 = tpu.memref_slice %arg2[%mul3A_218, %dma_wait3A_230] : memref<320000x128xf32, #tpu.memory_space<hbm>> -> memref<128x128xf32, #tpu.memory_space<hbm>>
      tpu.wait_dma2 semaphore(%arg15 : memref<!tpu.dma_semaphore, #tpu.memory_space<semaphore_mem>>) src(%dma_wait3A_231 : memref<128x128xf32, #tpu.memory_space<hbm>>) dst(%arg9 : memref<128x128xf32, #tpu.memory_space<vmem>>)
      %run_scoped3A_232 = arith.constant 1 : i32
      "tpu.region"() ({
        %run_scoped3A_333 = tpu.sem_alloc : memref<!tpu.dma_semaphore, #tpu.memory_space<semaphore_mem>>
        %dma_start3A_334 = arith.constant 0 : i32
        %dma_start3A_335 = tpu.memref_slice %arg10[%run_scoped3A_232, %dma_start3A_334] : memref<4x128xi32, #tpu.memory_space<vmem>> -> memref<1x128xi32, #tpu.memory_space<vmem>>
        %dma_start3A_336 = tpu.memref_squeeze %dma_start3A_335 : memref<1x128xi32, #tpu.memory_space<vmem>> -> memref<128xi32, #tpu.memory_space<vmem>>
        %dma_start3A_337 = arith.constant 0 : i32
        %dma_start3A_338 = arith.constant 0 : i32
        %dma_start3A_339 = tpu.memref_slice %arg12[%dma_start3A_337, %dma_start3A_338] : memref<10240x128xf32, #tpu.memory_space<vmem_shared>> -> memref<10240x128xf32, #tpu.memory_space<vmem_shared>>
        tpu.enqueue_indirect_dma source(%arg9 : memref<128x128xf32, #tpu.memory_space<vmem>>) target(%dma_start3A_339 : memref<10240x128xf32, #tpu.memory_space<vmem_shared>>) offsets(%dma_start3A_336 : memref<128xi32, #tpu.memory_space<vmem>>) semaphore(%run_scoped3A_333 : memref<!tpu.dma_semaphore, #tpu.memory_space<semaphore_mem>>) {add = true}
        %dma_wait3A_340 = arith.constant 0 : i32
        %dma_wait3A_341 = tpu.memref_slice %arg10[%run_scoped3A_232, %dma_wait3A_340] : memref<4x128xi32, #tpu.memory_space<vmem>> -> memref<1x128xi32, #tpu.memory_space<vmem>>
        %dma_wait3A_342 = tpu.memref_squeeze %dma_wait3A_341 : memref<1x128xi32, #tpu.memory_space<vmem>> -> memref<128xi32, #tpu.memory_space<vmem>>
        %dma_wait3A_343 = arith.constant 0 : i32
        %dma_wait3A_344 = arith.constant 0 : i32
        %dma_wait3A_345 = tpu.memref_slice %arg12[%dma_wait3A_343, %dma_wait3A_344] : memref<10240x128xf32, #tpu.memory_space<vmem_shared>> -> memref<10240x128xf32, #tpu.memory_space<vmem_shared>>
        tpu.wait_indirect_dma semaphore(%run_scoped3A_333 : memref<!tpu.dma_semaphore, #tpu.memory_space<semaphore_mem>>) src(%arg9 : memref<128x128xf32, #tpu.memory_space<vmem>>) dst(%dma_wait3A_345 : memref<10240x128xf32, #tpu.memory_space<vmem_shared>>)
        tpu.yield
      }) : () -> ()
      %ge3A_233 = arith.constant 2 : i32
      %ge3A_234 = arith.cmpi sge, %add3A_213, %ge3A_233 : i32
      %convert_element_type3A_235 = arith.extui %ge3A_234 : i1 to i32
      %cond3A_236 = arith.constant 0 : i32
      %cond3A_237 = arith.cmpi ne, %convert_element_type3A_235, %cond3A_236 : i32
      scf.if %cond3A_237 {
        %dma_wait3A_333 = arith.constant 3 : i32
        %dma_wait3A_334 = arith.constant 0 : i32
        %dma_wait3A_335 = tpu.memref_slice %arg10[%dma_wait3A_333, %dma_wait3A_334] : memref<4x128xi32, #tpu.memory_space<vmem>> -> memref<1x128xi32, #tpu.memory_space<vmem>>
        %dma_wait3A_336 = tpu.memref_squeeze %dma_wait3A_335 : memref<1x128xi32, #tpu.memory_space<vmem>> -> memref<128xi32, #tpu.memory_space<vmem>>
        %dma_wait3A_337 = arith.constant 0 : i32
        %dma_wait3A_338 = tpu.memref_slice %arg13[%dma_wait3A_337] : memref<10240xf32, #tpu.memory_space<vmem_shared>> -> memref<10240xf32, #tpu.memory_space<vmem_shared>>
        tpu.wait_indirect_dma semaphore(%arg23 : memref<!tpu.dma_semaphore, #tpu.memory_space<semaphore_mem>>) src(%arg11 : memref<128xf32, #tpu.memory_space<vmem>>) dst(%dma_wait3A_338 : memref<10240xf32, #tpu.memory_space<vmem_shared>>)
      } else {
      }
      %dma_start3A_238 = arith.constant 1 : i32
      %dma_start3A_239 = arith.constant 0 : i32
      %dma_start3A_240 = tpu.memref_slice %arg10[%dma_start3A_238, %dma_start3A_239] : memref<4x128xi32, #tpu.memory_space<vmem>> -> memref<1x128xi32, #tpu.memory_space<vmem>>
      %dma_start3A_241 = tpu.memref_squeeze %dma_start3A_240 : memref<1x128xi32, #tpu.memory_space<vmem>> -> memref<128xi32, #tpu.memory_space<vmem>>
      %dma_start3A_242 = arith.constant 0 : i32
      %dma_start3A_243 = tpu.memref_slice %arg13[%dma_start3A_242] : memref<10240xf32, #tpu.memory_space<vmem_shared>> -> memref<10240xf32, #tpu.memory_space<vmem_shared>>
      tpu.enqueue_indirect_dma source(%arg11 : memref<128xf32, #tpu.memory_space<vmem>>) target(%dma_start3A_243 : memref<10240xf32, #tpu.memory_space<vmem_shared>>) offsets(%dma_start3A_241 : memref<128xi32, #tpu.memory_space<vmem>>) semaphore(%arg21 : memref<!tpu.dma_semaphore, #tpu.memory_space<semaphore_mem>>) {add = true}
      %add3A_244 = arith.constant 2 : i32
      %add3A_245 = arith.addi %add3A_213, %add3A_244 : i32
      %lt3A_246 = arith.constant 78 : i32
      %lt3A_247 = arith.cmpi slt, %add3A_245, %lt3A_246 : i32
      %convert_element_type3A_248 = arith.extui %lt3A_247 : i1 to i32
      %cond3A_249 = arith.constant 0 : i32
      %cond3A_250 = arith.cmpi ne, %convert_element_type3A_248, %cond3A_249 : i32
      scf.if %cond3A_250 {
        %add3A_333 = arith.constant 2 : i32
        %add3A_334 = arith.addi %add3A_213, %add3A_333 : i32
        %mul3A_335 = arith.constant 32 : i32
        %mul3A_336 = arith.muli %add3A_334, %mul3A_335 : i32
        %add3A_337 = arith.addi %add3A, %mul3A_336 : i32
        %mul3A_338 = arith.constant 128 : i32
        %mul3A_339 = arith.muli %add3A_337, %mul3A_338 : i32
        %dma_start3A_340 = arith.constant 3 : i32
        %dma_start3A_341 = arith.constant 0 : i32
        %dma_start3A_342 = tpu.memref_slice %arg10[%dma_start3A_340, %dma_start3A_341] : memref<4x128xi32, #tpu.memory_space<vmem>> -> memref<1x128xi32, #tpu.memory_space<vmem>>
        %dma_start3A_343 = tpu.memref_squeeze %dma_start3A_342 : memref<1x128xi32, #tpu.memory_space<vmem>> -> memref<128xi32, #tpu.memory_space<vmem>>
        %dma_start3A_344 = tpu.memref_slice %arg3[%mul3A_339] : memref<320000xi32, #tpu.memory_space<hbm>> -> memref<128xi32, #tpu.memory_space<hbm>>
        %dma_start3A_345 = arith.constant 0 : i32
        %dma_start3A_346 = tpu.memref_slice %arg10[%dma_start3A_340, %dma_start3A_345] : memref<4x128xi32, #tpu.memory_space<vmem>> -> memref<1x128xi32, #tpu.memory_space<vmem>>
        %dma_start3A_347 = tpu.memref_squeeze %dma_start3A_346 : memref<1x128xi32, #tpu.memory_space<vmem>> -> memref<128xi32, #tpu.memory_space<vmem>>
        %dma_start3A_348 = tpu.memref_slice %arg3[%mul3A_339] : memref<320000xi32, #tpu.memory_space<hbm>> -> memref<128xi32, #tpu.memory_space<hbm>>
        tpu.enqueue_dma source(%dma_start3A_348 : memref<128xi32, #tpu.memory_space<hbm>>) target(%dma_start3A_347 : memref<128xi32, #tpu.memory_space<vmem>>) target_semaphore(%arg19 : memref<!tpu.dma_semaphore, #tpu.memory_space<semaphore_mem>>)
        %dma_start3A_349 = arith.constant 0 : i32
        %dma_start3A_350 = tpu.memref_slice %arg2[%mul3A_339, %dma_start3A_349] : memref<320000x128xf32, #tpu.memory_space<hbm>> -> memref<128x128xf32, #tpu.memory_space<hbm>>
        %dma_start3A_351 = arith.constant 0 : i32
        %dma_start3A_352 = tpu.memref_slice %arg2[%mul3A_339, %dma_start3A_351] : memref<320000x128xf32, #tpu.memory_space<hbm>> -> memref<128x128xf32, #tpu.memory_space<hbm>>
        tpu.enqueue_dma source(%dma_start3A_352 : memref<128x128xf32, #tpu.memory_space<hbm>>) target(%arg9 : memref<128x128xf32, #tpu.memory_space<vmem>>) target_semaphore(%arg15 : memref<!tpu.dma_semaphore, #tpu.memory_space<semaphore_mem>>)
      } else {
      }
      %mul3A_251 = arith.constant 4 : i32
      %mul3A_252 = arith.muli %mul3A_251, %scan3A_169 : i32
      %add3A_253 = arith.constant 2 : i32
      %add3A_254 = arith.addi %mul3A_252, %add3A_253 : i32
      %mul3A_255 = arith.constant 32 : i32
      %mul3A_256 = arith.muli %add3A_254, %mul3A_255 : i32
      %add3A_257 = arith.addi %add3A, %mul3A_256 : i32
      %mul3A_258 = arith.constant 128 : i32
      %mul3A_259 = arith.muli %add3A_257, %mul3A_258 : i32
      %dma_wait3A_260 = arith.constant 2 : i32
      %dma_wait3A_261 = arith.constant 0 : i32
      %dma_wait3A_262 = tpu.memref_slice %arg10[%dma_wait3A_260, %dma_wait3A_261] : memref<4x128xi32, #tpu.memory_space<vmem>> -> memref<1x128xi32, #tpu.memory_space<vmem>>
      %dma_wait3A_263 = tpu.memref_squeeze %dma_wait3A_262 : memref<1x128xi32, #tpu.memory_space<vmem>> -> memref<128xi32, #tpu.memory_space<vmem>>
      %dma_wait3A_264 = tpu.memref_slice %arg3[%mul3A_259] : memref<320000xi32, #tpu.memory_space<hbm>> -> memref<128xi32, #tpu.memory_space<hbm>>
      %dma_wait3A_265 = arith.constant 0 : i32
      %dma_wait3A_266 = tpu.memref_slice %arg10[%dma_wait3A_260, %dma_wait3A_265] : memref<4x128xi32, #tpu.memory_space<vmem>> -> memref<1x128xi32, #tpu.memory_space<vmem>>
      %dma_wait3A_267 = tpu.memref_squeeze %dma_wait3A_266 : memref<1x128xi32, #tpu.memory_space<vmem>> -> memref<128xi32, #tpu.memory_space<vmem>>
      %dma_wait3A_268 = tpu.memref_slice %arg3[%mul3A_259] : memref<320000xi32, #tpu.memory_space<hbm>> -> memref<128xi32, #tpu.memory_space<hbm>>
      tpu.wait_dma2 semaphore(%arg18 : memref<!tpu.dma_semaphore, #tpu.memory_space<semaphore_mem>>) src(%dma_wait3A_268 : memref<128xi32, #tpu.memory_space<hbm>>) dst(%dma_wait3A_267 : memref<128xi32, #tpu.memory_space<vmem>>)
      %dma_wait3A_269 = arith.constant 0 : i32
      %dma_wait3A_270 = tpu.memref_slice %arg2[%mul3A_259, %dma_wait3A_269] : memref<320000x128xf32, #tpu.memory_space<hbm>> -> memref<128x128xf32, #tpu.memory_space<hbm>>
      %dma_wait3A_271 = arith.constant 0 : i32
      %dma_wait3A_272 = tpu.memref_slice %arg2[%mul3A_259, %dma_wait3A_271] : memref<320000x128xf32, #tpu.memory_space<hbm>> -> memref<128x128xf32, #tpu.memory_space<hbm>>
      tpu.wait_dma2 semaphore(%arg14 : memref<!tpu.dma_semaphore, #tpu.memory_space<semaphore_mem>>) src(%dma_wait3A_272 : memref<128x128xf32, #tpu.memory_space<hbm>>) dst(%arg8 : memref<128x128xf32, #tpu.memory_space<vmem>>)
      %run_scoped3A_273 = arith.constant 2 : i32
      "tpu.region"() ({
        %run_scoped3A_333 = tpu.sem_alloc : memref<!tpu.dma_semaphore, #tpu.memory_space<semaphore_mem>>
        %dma_start3A_334 = arith.constant 0 : i32
        %dma_start3A_335 = tpu.memref_slice %arg10[%run_scoped3A_273, %dma_start3A_334] : memref<4x128xi32, #tpu.memory_space<vmem>> -> memref<1x128xi32, #tpu.memory_space<vmem>>
        %dma_start3A_336 = tpu.memref_squeeze %dma_start3A_335 : memref<1x128xi32, #tpu.memory_space<vmem>> -> memref<128xi32, #tpu.memory_space<vmem>>
        %dma_start3A_337 = arith.constant 0 : i32
        %dma_start3A_338 = arith.constant 0 : i32
        %dma_start3A_339 = tpu.memref_slice %arg12[%dma_start3A_337, %dma_start3A_338] : memref<10240x128xf32, #tpu.memory_space<vmem_shared>> -> memref<10240x128xf32, #tpu.memory_space<vmem_shared>>
        tpu.enqueue_indirect_dma source(%arg8 : memref<128x128xf32, #tpu.memory_space<vmem>>) target(%dma_start3A_339 : memref<10240x128xf32, #tpu.memory_space<vmem_shared>>) offsets(%dma_start3A_336 : memref<128xi32, #tpu.memory_space<vmem>>) semaphore(%run_scoped3A_333 : memref<!tpu.dma_semaphore, #tpu.memory_space<semaphore_mem>>) {add = true}
        %dma_wait3A_340 = arith.constant 0 : i32
        %dma_wait3A_341 = tpu.memref_slice %arg10[%run_scoped3A_273, %dma_wait3A_340] : memref<4x128xi32, #tpu.memory_space<vmem>> -> memref<1x128xi32, #tpu.memory_space<vmem>>
        %dma_wait3A_342 = tpu.memref_squeeze %dma_wait3A_341 : memref<1x128xi32, #tpu.memory_space<vmem>> -> memref<128xi32, #tpu.memory_space<vmem>>
        %dma_wait3A_343 = arith.constant 0 : i32
        %dma_wait3A_344 = arith.constant 0 : i32
        %dma_wait3A_345 = tpu.memref_slice %arg12[%dma_wait3A_343, %dma_wait3A_344] : memref<10240x128xf32, #tpu.memory_space<vmem_shared>> -> memref<10240x128xf32, #tpu.memory_space<vmem_shared>>
        tpu.wait_indirect_dma semaphore(%run_scoped3A_333 : memref<!tpu.dma_semaphore, #tpu.memory_space<semaphore_mem>>) src(%arg8 : memref<128x128xf32, #tpu.memory_space<vmem>>) dst(%dma_wait3A_345 : memref<10240x128xf32, #tpu.memory_space<vmem_shared>>)
        tpu.yield
      }) : () -> ()
      %ge3A_274 = arith.constant 2 : i32
      %ge3A_275 = arith.cmpi sge, %add3A_254, %ge3A_274 : i32
      %convert_element_type3A_276 = arith.extui %ge3A_275 : i1 to i32
      %cond3A_277 = arith.constant 0 : i32
      %cond3A_278 = arith.cmpi ne, %convert_element_type3A_276, %cond3A_277 : i32
      scf.if %cond3A_278 {
        %dma_wait3A_333 = arith.constant 0 : i32
        %dma_wait3A_334 = arith.constant 0 : i32
        %dma_wait3A_335 = tpu.memref_slice %arg10[%dma_wait3A_333, %dma_wait3A_334] : memref<4x128xi32, #tpu.memory_space<vmem>> -> memref<1x128xi32, #tpu.memory_space<vmem>>
        %dma_wait3A_336 = tpu.memref_squeeze %dma_wait3A_335 : memref<1x128xi32, #tpu.memory_space<vmem>> -> memref<128xi32, #tpu.memory_space<vmem>>
        %dma_wait3A_337 = arith.constant 0 : i32
        %dma_wait3A_338 = tpu.memref_slice %arg13[%dma_wait3A_337] : memref<10240xf32, #tpu.memory_space<vmem_shared>> -> memref<10240xf32, #tpu.memory_space<vmem_shared>>
        tpu.wait_indirect_dma semaphore(%arg20 : memref<!tpu.dma_semaphore, #tpu.memory_space<semaphore_mem>>) src(%arg11 : memref<128xf32, #tpu.memory_space<vmem>>) dst(%dma_wait3A_338 : memref<10240xf32, #tpu.memory_space<vmem_shared>>)
      } else {
      }
      %dma_start3A_279 = arith.constant 2 : i32
      %dma_start3A_280 = arith.constant 0 : i32
      %dma_start3A_281 = tpu.memref_slice %arg10[%dma_start3A_279, %dma_start3A_280] : memref<4x128xi32, #tpu.memory_space<vmem>> -> memref<1x128xi32, #tpu.memory_space<vmem>>
      %dma_start3A_282 = tpu.memref_squeeze %dma_start3A_281 : memref<1x128xi32, #tpu.memory_space<vmem>> -> memref<128xi32, #tpu.memory_space<vmem>>
      %dma_start3A_283 = arith.constant 0 : i32
      %dma_start3A_284 = tpu.memref_slice %arg13[%dma_start3A_283] : memref<10240xf32, #tpu.memory_space<vmem_shared>> -> memref<10240xf32, #tpu.memory_space<vmem_shared>>
      tpu.enqueue_indirect_dma source(%arg11 : memref<128xf32, #tpu.memory_space<vmem>>) target(%dma_start3A_284 : memref<10240xf32, #tpu.memory_space<vmem_shared>>) offsets(%dma_start3A_282 : memref<128xi32, #tpu.memory_space<vmem>>) semaphore(%arg22 : memref<!tpu.dma_semaphore, #tpu.memory_space<semaphore_mem>>) {add = true}
      %add3A_285 = arith.constant 2 : i32
      %add3A_286 = arith.addi %add3A_254, %add3A_285 : i32
      %lt3A_287 = arith.constant 78 : i32
      %lt3A_288 = arith.cmpi slt, %add3A_286, %lt3A_287 : i32
      %convert_element_type3A_289 = arith.extui %lt3A_288 : i1 to i32
      %cond3A_290 = arith.constant 0 : i32
      %cond3A_291 = arith.cmpi ne, %convert_element_type3A_289, %cond3A_290 : i32
      scf.if %cond3A_291 {
        %add3A_333 = arith.constant 2 : i32
        %add3A_334 = arith.addi %add3A_254, %add3A_333 : i32
        %mul3A_335 = arith.constant 32 : i32
        %mul3A_336 = arith.muli %add3A_334, %mul3A_335 : i32
        %add3A_337 = arith.addi %add3A, %mul3A_336 : i32
        %mul3A_338 = arith.constant 128 : i32
        %mul3A_339 = arith.muli %add3A_337, %mul3A_338 : i32
        %dma_start3A_340 = arith.constant 0 : i32
        %dma_start3A_341 = arith.constant 0 : i32
        %dma_start3A_342 = tpu.memref_slice %arg10[%dma_start3A_340, %dma_start3A_341] : memref<4x128xi32, #tpu.memory_space<vmem>> -> memref<1x128xi32, #tpu.memory_space<vmem>>
        %dma_start3A_343 = tpu.memref_squeeze %dma_start3A_342 : memref<1x128xi32, #tpu.memory_space<vmem>> -> memref<128xi32, #tpu.memory_space<vmem>>
        %dma_start3A_344 = tpu.memref_slice %arg3[%mul3A_339] : memref<320000xi32, #tpu.memory_space<hbm>> -> memref<128xi32, #tpu.memory_space<hbm>>
        %dma_start3A_345 = arith.constant 0 : i32
        %dma_start3A_346 = tpu.memref_slice %arg10[%dma_start3A_340, %dma_start3A_345] : memref<4x128xi32, #tpu.memory_space<vmem>> -> memref<1x128xi32, #tpu.memory_space<vmem>>
        %dma_start3A_347 = tpu.memref_squeeze %dma_start3A_346 : memref<1x128xi32, #tpu.memory_space<vmem>> -> memref<128xi32, #tpu.memory_space<vmem>>
        %dma_start3A_348 = tpu.memref_slice %arg3[%mul3A_339] : memref<320000xi32, #tpu.memory_space<hbm>> -> memref<128xi32, #tpu.memory_space<hbm>>
        tpu.enqueue_dma source(%dma_start3A_348 : memref<128xi32, #tpu.memory_space<hbm>>) target(%dma_start3A_347 : memref<128xi32, #tpu.memory_space<vmem>>) target_semaphore(%arg16 : memref<!tpu.dma_semaphore, #tpu.memory_space<semaphore_mem>>)
        %dma_start3A_349 = arith.constant 0 : i32
        %dma_start3A_350 = tpu.memref_slice %arg2[%mul3A_339, %dma_start3A_349] : memref<320000x128xf32, #tpu.memory_space<hbm>> -> memref<128x128xf32, #tpu.memory_space<hbm>>
        %dma_start3A_351 = arith.constant 0 : i32
        %dma_start3A_352 = tpu.memref_slice %arg2[%mul3A_339, %dma_start3A_351] : memref<320000x128xf32, #tpu.memory_space<hbm>> -> memref<128x128xf32, #tpu.memory_space<hbm>>
        tpu.enqueue_dma source(%dma_start3A_352 : memref<128x128xf32, #tpu.memory_space<hbm>>) target(%arg8 : memref<128x128xf32, #tpu.memory_space<vmem>>) target_semaphore(%arg14 : memref<!tpu.dma_semaphore, #tpu.memory_space<semaphore_mem>>)
      } else {
      }
      %mul3A_292 = arith.constant 4 : i32
      %mul3A_293 = arith.muli %mul3A_292, %scan3A_169 : i32
      %add3A_294 = arith.constant 3 : i32
      %add3A_295 = arith.addi %mul3A_293, %add3A_294 : i32
      %mul3A_296 = arith.constant 32 : i32
      %mul3A_297 = arith.muli %add3A_295, %mul3A_296 : i32
      %add3A_298 = arith.addi %add3A, %mul3A_297 : i32
      %mul3A_299 = arith.constant 128 : i32
      %mul3A_300 = arith.muli %add3A_298, %mul3A_299 : i32
      %dma_wait3A_301 = arith.constant 3 : i32
      %dma_wait3A_302 = arith.constant 0 : i32
      %dma_wait3A_303 = tpu.memref_slice %arg10[%dma_wait3A_301, %dma_wait3A_302] : memref<4x128xi32, #tpu.memory_space<vmem>> -> memref<1x128xi32, #tpu.memory_space<vmem>>
      %dma_wait3A_304 = tpu.memref_squeeze %dma_wait3A_303 : memref<1x128xi32, #tpu.memory_space<vmem>> -> memref<128xi32, #tpu.memory_space<vmem>>
      %dma_wait3A_305 = tpu.memref_slice %arg3[%mul3A_300] : memref<320000xi32, #tpu.memory_space<hbm>> -> memref<128xi32, #tpu.memory_space<hbm>>
      %dma_wait3A_306 = arith.constant 0 : i32
      %dma_wait3A_307 = tpu.memref_slice %arg10[%dma_wait3A_301, %dma_wait3A_306] : memref<4x128xi32, #tpu.memory_space<vmem>> -> memref<1x128xi32, #tpu.memory_space<vmem>>
      %dma_wait3A_308 = tpu.memref_squeeze %dma_wait3A_307 : memref<1x128xi32, #tpu.memory_space<vmem>> -> memref<128xi32, #tpu.memory_space<vmem>>
      %dma_wait3A_309 = tpu.memref_slice %arg3[%mul3A_300] : memref<320000xi32, #tpu.memory_space<hbm>> -> memref<128xi32, #tpu.memory_space<hbm>>
      tpu.wait_dma2 semaphore(%arg19 : memref<!tpu.dma_semaphore, #tpu.memory_space<semaphore_mem>>) src(%dma_wait3A_309 : memref<128xi32, #tpu.memory_space<hbm>>) dst(%dma_wait3A_308 : memref<128xi32, #tpu.memory_space<vmem>>)
      %dma_wait3A_310 = arith.constant 0 : i32
      %dma_wait3A_311 = tpu.memref_slice %arg2[%mul3A_300, %dma_wait3A_310] : memref<320000x128xf32, #tpu.memory_space<hbm>> -> memref<128x128xf32, #tpu.memory_space<hbm>>
      %dma_wait3A_312 = arith.constant 0 : i32
      %dma_wait3A_313 = tpu.memref_slice %arg2[%mul3A_300, %dma_wait3A_312] : memref<320000x128xf32, #tpu.memory_space<hbm>> -> memref<128x128xf32, #tpu.memory_space<hbm>>
      tpu.wait_dma2 semaphore(%arg15 : memref<!tpu.dma_semaphore, #tpu.memory_space<semaphore_mem>>) src(%dma_wait3A_313 : memref<128x128xf32, #tpu.memory_space<hbm>>) dst(%arg9 : memref<128x128xf32, #tpu.memory_space<vmem>>)
      %run_scoped3A_314 = arith.constant 3 : i32
      "tpu.region"() ({
        %run_scoped3A_333 = tpu.sem_alloc : memref<!tpu.dma_semaphore, #tpu.memory_space<semaphore_mem>>
        %dma_start3A_334 = arith.constant 0 : i32
        %dma_start3A_335 = tpu.memref_slice %arg10[%run_scoped3A_314, %dma_start3A_334] : memref<4x128xi32, #tpu.memory_space<vmem>> -> memref<1x128xi32, #tpu.memory_space<vmem>>
        %dma_start3A_336 = tpu.memref_squeeze %dma_start3A_335 : memref<1x128xi32, #tpu.memory_space<vmem>> -> memref<128xi32, #tpu.memory_space<vmem>>
        %dma_start3A_337 = arith.constant 0 : i32
        %dma_start3A_338 = arith.constant 0 : i32
        %dma_start3A_339 = tpu.memref_slice %arg12[%dma_start3A_337, %dma_start3A_338] : memref<10240x128xf32, #tpu.memory_space<vmem_shared>> -> memref<10240x128xf32, #tpu.memory_space<vmem_shared>>
        tpu.enqueue_indirect_dma source(%arg9 : memref<128x128xf32, #tpu.memory_space<vmem>>) target(%dma_start3A_339 : memref<10240x128xf32, #tpu.memory_space<vmem_shared>>) offsets(%dma_start3A_336 : memref<128xi32, #tpu.memory_space<vmem>>) semaphore(%run_scoped3A_333 : memref<!tpu.dma_semaphore, #tpu.memory_space<semaphore_mem>>) {add = true}
        %dma_wait3A_340 = arith.constant 0 : i32
        %dma_wait3A_341 = tpu.memref_slice %arg10[%run_scoped3A_314, %dma_wait3A_340] : memref<4x128xi32, #tpu.memory_space<vmem>> -> memref<1x128xi32, #tpu.memory_space<vmem>>
        %dma_wait3A_342 = tpu.memref_squeeze %dma_wait3A_341 : memref<1x128xi32, #tpu.memory_space<vmem>> -> memref<128xi32, #tpu.memory_space<vmem>>
        %dma_wait3A_343 = arith.constant 0 : i32
        %dma_wait3A_344 = arith.constant 0 : i32
        %dma_wait3A_345 = tpu.memref_slice %arg12[%dma_wait3A_343, %dma_wait3A_344] : memref<10240x128xf32, #tpu.memory_space<vmem_shared>> -> memref<10240x128xf32, #tpu.memory_space<vmem_shared>>
        tpu.wait_indirect_dma semaphore(%run_scoped3A_333 : memref<!tpu.dma_semaphore, #tpu.memory_space<semaphore_mem>>) src(%arg9 : memref<128x128xf32, #tpu.memory_space<vmem>>) dst(%dma_wait3A_345 : memref<10240x128xf32, #tpu.memory_space<vmem_shared>>)
        tpu.yield
      }) : () -> ()
      %ge3A_315 = arith.constant 2 : i32
      %ge3A_316 = arith.cmpi sge, %add3A_295, %ge3A_315 : i32
      %convert_element_type3A_317 = arith.extui %ge3A_316 : i1 to i32
      %cond3A_318 = arith.constant 0 : i32
      %cond3A_319 = arith.cmpi ne, %convert_element_type3A_317, %cond3A_318 : i32
      scf.if %cond3A_319 {
        %dma_wait3A_333 = arith.constant 1 : i32
        %dma_wait3A_334 = arith.constant 0 : i32
        %dma_wait3A_335 = tpu.memref_slice %arg10[%dma_wait3A_333, %dma_wait3A_334] : memref<4x128xi32, #tpu.memory_space<vmem>> -> memref<1x128xi32, #tpu.memory_space<vmem>>
        %dma_wait3A_336 = tpu.memref_squeeze %dma_wait3A_335 : memref<1x128xi32, #tpu.memory_space<vmem>> -> memref<128xi32, #tpu.memory_space<vmem>>
        %dma_wait3A_337 = arith.constant 0 : i32
        %dma_wait3A_338 = tpu.memref_slice %arg13[%dma_wait3A_337] : memref<10240xf32, #tpu.memory_space<vmem_shared>> -> memref<10240xf32, #tpu.memory_space<vmem_shared>>
        tpu.wait_indirect_dma semaphore(%arg21 : memref<!tpu.dma_semaphore, #tpu.memory_space<semaphore_mem>>) src(%arg11 : memref<128xf32, #tpu.memory_space<vmem>>) dst(%dma_wait3A_338 : memref<10240xf32, #tpu.memory_space<vmem_shared>>)
      } else {
      }
      %dma_start3A_320 = arith.constant 3 : i32
      %dma_start3A_321 = arith.constant 0 : i32
      %dma_start3A_322 = tpu.memref_slice %arg10[%dma_start3A_320, %dma_start3A_321] : memref<4x128xi32, #tpu.memory_space<vmem>> -> memref<1x128xi32, #tpu.memory_space<vmem>>
      %dma_start3A_323 = tpu.memref_squeeze %dma_start3A_322 : memref<1x128xi32, #tpu.memory_space<vmem>> -> memref<128xi32, #tpu.memory_space<vmem>>
      %dma_start3A_324 = arith.constant 0 : i32
      %dma_start3A_325 = tpu.memref_slice %arg13[%dma_start3A_324] : memref<10240xf32, #tpu.memory_space<vmem_shared>> -> memref<10240xf32, #tpu.memory_space<vmem_shared>>
      tpu.enqueue_indirect_dma source(%arg11 : memref<128xf32, #tpu.memory_space<vmem>>) target(%dma_start3A_325 : memref<10240xf32, #tpu.memory_space<vmem_shared>>) offsets(%dma_start3A_323 : memref<128xi32, #tpu.memory_space<vmem>>) semaphore(%arg23 : memref<!tpu.dma_semaphore, #tpu.memory_space<semaphore_mem>>) {add = true}
      %add3A_326 = arith.constant 2 : i32
      %add3A_327 = arith.addi %add3A_295, %add3A_326 : i32
      %lt3A_328 = arith.constant 78 : i32
      %lt3A_329 = arith.cmpi slt, %add3A_327, %lt3A_328 : i32
      %convert_element_type3A_330 = arith.extui %lt3A_329 : i1 to i32
      %cond3A_331 = arith.constant 0 : i32
      %cond3A_332 = arith.cmpi ne, %convert_element_type3A_330, %cond3A_331 : i32
      scf.if %cond3A_332 {
        %add3A_333 = arith.constant 2 : i32
        %add3A_334 = arith.addi %add3A_295, %add3A_333 : i32
        %mul3A_335 = arith.constant 32 : i32
        %mul3A_336 = arith.muli %add3A_334, %mul3A_335 : i32
        %add3A_337 = arith.addi %add3A, %mul3A_336 : i32
        %mul3A_338 = arith.constant 128 : i32
        %mul3A_339 = arith.muli %add3A_337, %mul3A_338 : i32
        %dma_start3A_340 = arith.constant 1 : i32
        %dma_start3A_341 = arith.constant 0 : i32
        %dma_start3A_342 = tpu.memref_slice %arg10[%dma_start3A_340, %dma_start3A_341] : memref<4x128xi32, #tpu.memory_space<vmem>> -> memref<1x128xi32, #tpu.memory_space<vmem>>
        %dma_start3A_343 = tpu.memref_squeeze %dma_start3A_342 : memref<1x128xi32, #tpu.memory_space<vmem>> -> memref<128xi32, #tpu.memory_space<vmem>>
        %dma_start3A_344 = tpu.memref_slice %arg3[%mul3A_339] : memref<320000xi32, #tpu.memory_space<hbm>> -> memref<128xi32, #tpu.memory_space<hbm>>
        %dma_start3A_345 = arith.constant 0 : i32
        %dma_start3A_346 = tpu.memref_slice %arg10[%dma_start3A_340, %dma_start3A_345] : memref<4x128xi32, #tpu.memory_space<vmem>> -> memref<1x128xi32, #tpu.memory_space<vmem>>
        %dma_start3A_347 = tpu.memref_squeeze %dma_start3A_346 : memref<1x128xi32, #tpu.memory_space<vmem>> -> memref<128xi32, #tpu.memory_space<vmem>>
        %dma_start3A_348 = tpu.memref_slice %arg3[%mul3A_339] : memref<320000xi32, #tpu.memory_space<hbm>> -> memref<128xi32, #tpu.memory_space<hbm>>
        tpu.enqueue_dma source(%dma_start3A_348 : memref<128xi32, #tpu.memory_space<hbm>>) target(%dma_start3A_347 : memref<128xi32, #tpu.memory_space<vmem>>) target_semaphore(%arg17 : memref<!tpu.dma_semaphore, #tpu.memory_space<semaphore_mem>>)
        %dma_start3A_349 = arith.constant 0 : i32
        %dma_start3A_350 = tpu.memref_slice %arg2[%mul3A_339, %dma_start3A_349] : memref<320000x128xf32, #tpu.memory_space<hbm>> -> memref<128x128xf32, #tpu.memory_space<hbm>>
        %dma_start3A_351 = arith.constant 0 : i32
        %dma_start3A_352 = tpu.memref_slice %arg2[%mul3A_339, %dma_start3A_351] : memref<320000x128xf32, #tpu.memory_space<hbm>> -> memref<128x128xf32, #tpu.memory_space<hbm>>
        tpu.enqueue_dma source(%dma_start3A_352 : memref<128x128xf32, #tpu.memory_space<hbm>>) target(%arg9 : memref<128x128xf32, #tpu.memory_space<vmem>>) target_semaphore(%arg15 : memref<!tpu.dma_semaphore, #tpu.memory_space<semaphore_mem>>)
      } else {
      }
    }
    %scan3A_88 = arith.constant 19 : i32
    %add3A_89 = arith.constant 2432 : i32
    %add3A_90 = arith.addi %add3A, %add3A_89 : i32
    %mul3A_91 = arith.constant 128 : i32
    %mul3A_92 = arith.muli %add3A_90, %mul3A_91 : i32
    %dma_wait3A = arith.constant 0 : i32
    %dma_wait3A_93 = arith.constant 0 : i32
    %dma_wait3A_94 = tpu.memref_slice %arg10[%dma_wait3A, %dma_wait3A_93] : memref<4x128xi32, #tpu.memory_space<vmem>> -> memref<1x128xi32, #tpu.memory_space<vmem>>
    %dma_wait3A_95 = tpu.memref_squeeze %dma_wait3A_94 : memref<1x128xi32, #tpu.memory_space<vmem>> -> memref<128xi32, #tpu.memory_space<vmem>>
    %dma_wait3A_96 = tpu.memref_slice %arg3[%mul3A_92] : memref<320000xi32, #tpu.memory_space<hbm>> -> memref<128xi32, #tpu.memory_space<hbm>>
    %dma_wait3A_97 = arith.constant 0 : i32
    %dma_wait3A_98 = tpu.memref_slice %arg10[%dma_wait3A, %dma_wait3A_97] : memref<4x128xi32, #tpu.memory_space<vmem>> -> memref<1x128xi32, #tpu.memory_space<vmem>>
    %dma_wait3A_99 = tpu.memref_squeeze %dma_wait3A_98 : memref<1x128xi32, #tpu.memory_space<vmem>> -> memref<128xi32, #tpu.memory_space<vmem>>
    %dma_wait3A_100 = tpu.memref_slice %arg3[%mul3A_92] : memref<320000xi32, #tpu.memory_space<hbm>> -> memref<128xi32, #tpu.memory_space<hbm>>
    tpu.wait_dma2 semaphore(%arg16 : memref<!tpu.dma_semaphore, #tpu.memory_space<semaphore_mem>>) src(%dma_wait3A_100 : memref<128xi32, #tpu.memory_space<hbm>>) dst(%dma_wait3A_99 : memref<128xi32, #tpu.memory_space<vmem>>)
    %dma_wait3A_101 = arith.constant 0 : i32
    %dma_wait3A_102 = tpu.memref_slice %arg2[%mul3A_92, %dma_wait3A_101] : memref<320000x128xf32, #tpu.memory_space<hbm>> -> memref<128x128xf32, #tpu.memory_space<hbm>>
    %dma_wait3A_103 = arith.constant 0 : i32
    %dma_wait3A_104 = tpu.memref_slice %arg2[%mul3A_92, %dma_wait3A_103] : memref<320000x128xf32, #tpu.memory_space<hbm>> -> memref<128x128xf32, #tpu.memory_space<hbm>>
    tpu.wait_dma2 semaphore(%arg14 : memref<!tpu.dma_semaphore, #tpu.memory_space<semaphore_mem>>) src(%dma_wait3A_104 : memref<128x128xf32, #tpu.memory_space<hbm>>) dst(%arg8 : memref<128x128xf32, #tpu.memory_space<vmem>>)
    %run_scoped3A = arith.constant 0 : i32
    "tpu.region"() ({
      %run_scoped3A_169 = tpu.sem_alloc : memref<!tpu.dma_semaphore, #tpu.memory_space<semaphore_mem>>
      %dma_start3A_170 = arith.constant 0 : i32
      %dma_start3A_171 = tpu.memref_slice %arg10[%run_scoped3A, %dma_start3A_170] : memref<4x128xi32, #tpu.memory_space<vmem>> -> memref<1x128xi32, #tpu.memory_space<vmem>>
      %dma_start3A_172 = tpu.memref_squeeze %dma_start3A_171 : memref<1x128xi32, #tpu.memory_space<vmem>> -> memref<128xi32, #tpu.memory_space<vmem>>
      %dma_start3A_173 = arith.constant 0 : i32
      %dma_start3A_174 = arith.constant 0 : i32
      %dma_start3A_175 = tpu.memref_slice %arg12[%dma_start3A_173, %dma_start3A_174] : memref<10240x128xf32, #tpu.memory_space<vmem_shared>> -> memref<10240x128xf32, #tpu.memory_space<vmem_shared>>
      tpu.enqueue_indirect_dma source(%arg8 : memref<128x128xf32, #tpu.memory_space<vmem>>) target(%dma_start3A_175 : memref<10240x128xf32, #tpu.memory_space<vmem_shared>>) offsets(%dma_start3A_172 : memref<128xi32, #tpu.memory_space<vmem>>) semaphore(%run_scoped3A_169 : memref<!tpu.dma_semaphore, #tpu.memory_space<semaphore_mem>>) {add = true}
      %dma_wait3A_176 = arith.constant 0 : i32
      %dma_wait3A_177 = tpu.memref_slice %arg10[%run_scoped3A, %dma_wait3A_176] : memref<4x128xi32, #tpu.memory_space<vmem>> -> memref<1x128xi32, #tpu.memory_space<vmem>>
      %dma_wait3A_178 = tpu.memref_squeeze %dma_wait3A_177 : memref<1x128xi32, #tpu.memory_space<vmem>> -> memref<128xi32, #tpu.memory_space<vmem>>
      %dma_wait3A_179 = arith.constant 0 : i32
      %dma_wait3A_180 = arith.constant 0 : i32
      %dma_wait3A_181 = tpu.memref_slice %arg12[%dma_wait3A_179, %dma_wait3A_180] : memref<10240x128xf32, #tpu.memory_space<vmem_shared>> -> memref<10240x128xf32, #tpu.memory_space<vmem_shared>>
      tpu.wait_indirect_dma semaphore(%run_scoped3A_169 : memref<!tpu.dma_semaphore, #tpu.memory_space<semaphore_mem>>) src(%arg8 : memref<128x128xf32, #tpu.memory_space<vmem>>) dst(%dma_wait3A_181 : memref<10240x128xf32, #tpu.memory_space<vmem_shared>>)
      tpu.yield
    }) : () -> ()
    %dma_wait3A_105 = arith.constant 2 : i32
    %dma_wait3A_106 = arith.constant 0 : i32
    %dma_wait3A_107 = tpu.memref_slice %arg10[%dma_wait3A_105, %dma_wait3A_106] : memref<4x128xi32, #tpu.memory_space<vmem>> -> memref<1x128xi32, #tpu.memory_space<vmem>>
    %dma_wait3A_108 = tpu.memref_squeeze %dma_wait3A_107 : memref<1x128xi32, #tpu.memory_space<vmem>> -> memref<128xi32, #tpu.memory_space<vmem>>
    %dma_wait3A_109 = arith.constant 0 : i32
    %dma_wait3A_110 = tpu.memref_slice %arg13[%dma_wait3A_109] : memref<10240xf32, #tpu.memory_space<vmem_shared>> -> memref<10240xf32, #tpu.memory_space<vmem_shared>>
    tpu.wait_indirect_dma semaphore(%arg22 : memref<!tpu.dma_semaphore, #tpu.memory_space<semaphore_mem>>) src(%arg11 : memref<128xf32, #tpu.memory_space<vmem>>) dst(%dma_wait3A_110 : memref<10240xf32, #tpu.memory_space<vmem_shared>>)
    %dma_start3A_111 = arith.constant 0 : i32
    %dma_start3A_112 = arith.constant 0 : i32
    %dma_start3A_113 = tpu.memref_slice %arg10[%dma_start3A_111, %dma_start3A_112] : memref<4x128xi32, #tpu.memory_space<vmem>> -> memref<1x128xi32, #tpu.memory_space<vmem>>
    %dma_start3A_114 = tpu.memref_squeeze %dma_start3A_113 : memref<1x128xi32, #tpu.memory_space<vmem>> -> memref<128xi32, #tpu.memory_space<vmem>>
    %dma_start3A_115 = arith.constant 0 : i32
    %dma_start3A_116 = tpu.memref_slice %arg13[%dma_start3A_115] : memref<10240xf32, #tpu.memory_space<vmem_shared>> -> memref<10240xf32, #tpu.memory_space<vmem_shared>>
    tpu.enqueue_indirect_dma source(%arg11 : memref<128xf32, #tpu.memory_space<vmem>>) target(%dma_start3A_116 : memref<10240xf32, #tpu.memory_space<vmem_shared>>) offsets(%dma_start3A_114 : memref<128xi32, #tpu.memory_space<vmem>>) semaphore(%arg20 : memref<!tpu.dma_semaphore, #tpu.memory_space<semaphore_mem>>) {add = true}
    %add3A_117 = arith.constant 2464 : i32
    %add3A_118 = arith.addi %add3A, %add3A_117 : i32
    %mul3A_119 = arith.constant 128 : i32
    %mul3A_120 = arith.muli %add3A_118, %mul3A_119 : i32
    %dma_wait3A_121 = arith.constant 1 : i32
    %dma_wait3A_122 = arith.constant 0 : i32
    %dma_wait3A_123 = tpu.memref_slice %arg10[%dma_wait3A_121, %dma_wait3A_122] : memref<4x128xi32, #tpu.memory_space<vmem>> -> memref<1x128xi32, #tpu.memory_space<vmem>>
    %dma_wait3A_124 = tpu.memref_squeeze %dma_wait3A_123 : memref<1x128xi32, #tpu.memory_space<vmem>> -> memref<128xi32, #tpu.memory_space<vmem>>
    %dma_wait3A_125 = tpu.memref_slice %arg3[%mul3A_120] : memref<320000xi32, #tpu.memory_space<hbm>> -> memref<128xi32, #tpu.memory_space<hbm>>
    %dma_wait3A_126 = arith.constant 0 : i32
    %dma_wait3A_127 = tpu.memref_slice %arg10[%dma_wait3A_121, %dma_wait3A_126] : memref<4x128xi32, #tpu.memory_space<vmem>> -> memref<1x128xi32, #tpu.memory_space<vmem>>
    %dma_wait3A_128 = tpu.memref_squeeze %dma_wait3A_127 : memref<1x128xi32, #tpu.memory_space<vmem>> -> memref<128xi32, #tpu.memory_space<vmem>>
    %dma_wait3A_129 = tpu.memref_slice %arg3[%mul3A_120] : memref<320000xi32, #tpu.memory_space<hbm>> -> memref<128xi32, #tpu.memory_space<hbm>>
    tpu.wait_dma2 semaphore(%arg17 : memref<!tpu.dma_semaphore, #tpu.memory_space<semaphore_mem>>) src(%dma_wait3A_129 : memref<128xi32, #tpu.memory_space<hbm>>) dst(%dma_wait3A_128 : memref<128xi32, #tpu.memory_space<vmem>>)
    %dma_wait3A_130 = arith.constant 0 : i32
    %dma_wait3A_131 = tpu.memref_slice %arg2[%mul3A_120, %dma_wait3A_130] : memref<320000x128xf32, #tpu.memory_space<hbm>> -> memref<128x128xf32, #tpu.memory_space<hbm>>
    %dma_wait3A_132 = arith.constant 0 : i32
    %dma_wait3A_133 = tpu.memref_slice %arg2[%mul3A_120, %dma_wait3A_132] : memref<320000x128xf32, #tpu.memory_space<hbm>> -> memref<128x128xf32, #tpu.memory_space<hbm>>
    tpu.wait_dma2 semaphore(%arg15 : memref<!tpu.dma_semaphore, #tpu.memory_space<semaphore_mem>>) src(%dma_wait3A_133 : memref<128x128xf32, #tpu.memory_space<hbm>>) dst(%arg9 : memref<128x128xf32, #tpu.memory_space<vmem>>)
    %run_scoped3A_134 = arith.constant 1 : i32
    "tpu.region"() ({
      %run_scoped3A_169 = tpu.sem_alloc : memref<!tpu.dma_semaphore, #tpu.memory_space<semaphore_mem>>
      %dma_start3A_170 = arith.constant 0 : i32
      %dma_start3A_171 = tpu.memref_slice %arg10[%run_scoped3A_134, %dma_start3A_170] : memref<4x128xi32, #tpu.memory_space<vmem>> -> memref<1x128xi32, #tpu.memory_space<vmem>>
      %dma_start3A_172 = tpu.memref_squeeze %dma_start3A_171 : memref<1x128xi32, #tpu.memory_space<vmem>> -> memref<128xi32, #tpu.memory_space<vmem>>
      %dma_start3A_173 = arith.constant 0 : i32
      %dma_start3A_174 = arith.constant 0 : i32
      %dma_start3A_175 = tpu.memref_slice %arg12[%dma_start3A_173, %dma_start3A_174] : memref<10240x128xf32, #tpu.memory_space<vmem_shared>> -> memref<10240x128xf32, #tpu.memory_space<vmem_shared>>
      tpu.enqueue_indirect_dma source(%arg9 : memref<128x128xf32, #tpu.memory_space<vmem>>) target(%dma_start3A_175 : memref<10240x128xf32, #tpu.memory_space<vmem_shared>>) offsets(%dma_start3A_172 : memref<128xi32, #tpu.memory_space<vmem>>) semaphore(%run_scoped3A_169 : memref<!tpu.dma_semaphore, #tpu.memory_space<semaphore_mem>>) {add = true}
      %dma_wait3A_176 = arith.constant 0 : i32
      %dma_wait3A_177 = tpu.memref_slice %arg10[%run_scoped3A_134, %dma_wait3A_176] : memref<4x128xi32, #tpu.memory_space<vmem>> -> memref<1x128xi32, #tpu.memory_space<vmem>>
      %dma_wait3A_178 = tpu.memref_squeeze %dma_wait3A_177 : memref<1x128xi32, #tpu.memory_space<vmem>> -> memref<128xi32, #tpu.memory_space<vmem>>
      %dma_wait3A_179 = arith.constant 0 : i32
      %dma_wait3A_180 = arith.constant 0 : i32
      %dma_wait3A_181 = tpu.memref_slice %arg12[%dma_wait3A_179, %dma_wait3A_180] : memref<10240x128xf32, #tpu.memory_space<vmem_shared>> -> memref<10240x128xf32, #tpu.memory_space<vmem_shared>>
      tpu.wait_indirect_dma semaphore(%run_scoped3A_169 : memref<!tpu.dma_semaphore, #tpu.memory_space<semaphore_mem>>) src(%arg9 : memref<128x128xf32, #tpu.memory_space<vmem>>) dst(%dma_wait3A_181 : memref<10240x128xf32, #tpu.memory_space<vmem_shared>>)
      tpu.yield
    }) : () -> ()
    %dma_wait3A_135 = arith.constant 3 : i32
    %dma_wait3A_136 = arith.constant 0 : i32
    %dma_wait3A_137 = tpu.memref_slice %arg10[%dma_wait3A_135, %dma_wait3A_136] : memref<4x128xi32, #tpu.memory_space<vmem>> -> memref<1x128xi32, #tpu.memory_space<vmem>>
    %dma_wait3A_138 = tpu.memref_squeeze %dma_wait3A_137 : memref<1x128xi32, #tpu.memory_space<vmem>> -> memref<128xi32, #tpu.memory_space<vmem>>
    %dma_wait3A_139 = arith.constant 0 : i32
    %dma_wait3A_140 = tpu.memref_slice %arg13[%dma_wait3A_139] : memref<10240xf32, #tpu.memory_space<vmem_shared>> -> memref<10240xf32, #tpu.memory_space<vmem_shared>>
    tpu.wait_indirect_dma semaphore(%arg23 : memref<!tpu.dma_semaphore, #tpu.memory_space<semaphore_mem>>) src(%arg11 : memref<128xf32, #tpu.memory_space<vmem>>) dst(%dma_wait3A_140 : memref<10240xf32, #tpu.memory_space<vmem_shared>>)
    %dma_start3A_141 = arith.constant 1 : i32
    %dma_start3A_142 = arith.constant 0 : i32
    %dma_start3A_143 = tpu.memref_slice %arg10[%dma_start3A_141, %dma_start3A_142] : memref<4x128xi32, #tpu.memory_space<vmem>> -> memref<1x128xi32, #tpu.memory_space<vmem>>
    %dma_start3A_144 = tpu.memref_squeeze %dma_start3A_143 : memref<1x128xi32, #tpu.memory_space<vmem>> -> memref<128xi32, #tpu.memory_space<vmem>>
    %dma_start3A_145 = arith.constant 0 : i32
    %dma_start3A_146 = tpu.memref_slice %arg13[%dma_start3A_145] : memref<10240xf32, #tpu.memory_space<vmem_shared>> -> memref<10240xf32, #tpu.memory_space<vmem_shared>>
    tpu.enqueue_indirect_dma source(%arg11 : memref<128xf32, #tpu.memory_space<vmem>>) target(%dma_start3A_146 : memref<10240xf32, #tpu.memory_space<vmem_shared>>) offsets(%dma_start3A_144 : memref<128xi32, #tpu.memory_space<vmem>>) semaphore(%arg21 : memref<!tpu.dma_semaphore, #tpu.memory_space<semaphore_mem>>) {add = true}
    %dma_wait3A_147 = arith.constant 0 : i32
    %dma_wait3A_148 = arith.constant 0 : i32
    %dma_wait3A_149 = tpu.memref_slice %arg10[%dma_wait3A_147, %dma_wait3A_148] : memref<4x128xi32, #tpu.memory_space<vmem>> -> memref<1x128xi32, #tpu.memory_space<vmem>>
    %dma_wait3A_150 = tpu.memref_squeeze %dma_wait3A_149 : memref<1x128xi32, #tpu.memory_space<vmem>> -> memref<128xi32, #tpu.memory_space<vmem>>
    %dma_wait3A_151 = arith.constant 0 : i32
    %dma_wait3A_152 = tpu.memref_slice %arg13[%dma_wait3A_151] : memref<10240xf32, #tpu.memory_space<vmem_shared>> -> memref<10240xf32, #tpu.memory_space<vmem_shared>>
    tpu.wait_indirect_dma semaphore(%arg20 : memref<!tpu.dma_semaphore, #tpu.memory_space<semaphore_mem>>) src(%arg11 : memref<128xf32, #tpu.memory_space<vmem>>) dst(%dma_wait3A_152 : memref<10240xf32, #tpu.memory_space<vmem_shared>>)
    %dma_wait3A_153 = arith.constant 1 : i32
    %dma_wait3A_154 = arith.constant 0 : i32
    %dma_wait3A_155 = tpu.memref_slice %arg10[%dma_wait3A_153, %dma_wait3A_154] : memref<4x128xi32, #tpu.memory_space<vmem>> -> memref<1x128xi32, #tpu.memory_space<vmem>>
    %dma_wait3A_156 = tpu.memref_squeeze %dma_wait3A_155 : memref<1x128xi32, #tpu.memory_space<vmem>> -> memref<128xi32, #tpu.memory_space<vmem>>
    %dma_wait3A_157 = arith.constant 0 : i32
    %dma_wait3A_158 = tpu.memref_slice %arg13[%dma_wait3A_157] : memref<10240xf32, #tpu.memory_space<vmem_shared>> -> memref<10240xf32, #tpu.memory_space<vmem_shared>>
    tpu.wait_indirect_dma semaphore(%arg21 : memref<!tpu.dma_semaphore, #tpu.memory_space<semaphore_mem>>) src(%arg11 : memref<128xf32, #tpu.memory_space<vmem>>) dst(%dma_wait3A_158 : memref<10240xf32, #tpu.memory_space<vmem_shared>>)
    %lt3A = arith.constant 4 : i32
    %lt3A_159 = arith.cmpi slt, %add3A, %lt3A : i32
    %convert_element_type3A_160 = arith.extui %lt3A_159 : i1 to i32
    %cond3A_161 = arith.constant 0 : i32
    %cond3A_162 = arith.cmpi ne, %convert_element_type3A_160, %cond3A_161 : i32
    scf.if %cond3A_162 {
      %add3A_169 = arith.constant 2496 : i32
      %add3A_170 = arith.addi %add3A_169, %add3A : i32
      %mul3A_171 = arith.constant 128 : i32
      %mul3A_172 = arith.muli %add3A_170, %mul3A_171 : i32
      %run_scoped3A_173 = arith.constant 0 : i32
      "tpu.region"() ({
        %run_scoped3A_176 = tpu.sem_alloc : memref<!tpu.dma_semaphore, #tpu.memory_space<semaphore_mem>>
        %dma_start3A_177 = arith.constant 0 : i32
        %dma_start3A_178 = tpu.memref_slice %arg10[%run_scoped3A_173, %dma_start3A_177] : memref<4x128xi32, #tpu.memory_space<vmem>> -> memref<1x128xi32, #tpu.memory_space<vmem>>
        %dma_start3A_179 = tpu.memref_squeeze %dma_start3A_178 : memref<1x128xi32, #tpu.memory_space<vmem>> -> memref<128xi32, #tpu.memory_space<vmem>>
        %dma_start3A_180 = tpu.memref_slice %arg3[%mul3A_172] : memref<320000xi32, #tpu.memory_space<hbm>> -> memref<128xi32, #tpu.memory_space<hbm>>
        %dma_start3A_181 = arith.constant 0 : i32
        %dma_start3A_182 = tpu.memref_slice %arg10[%run_scoped3A_173, %dma_start3A_181] : memref<4x128xi32, #tpu.memory_space<vmem>> -> memref<1x128xi32, #tpu.memory_space<vmem>>
        %dma_start3A_183 = tpu.memref_squeeze %dma_start3A_182 : memref<1x128xi32, #tpu.memory_space<vmem>> -> memref<128xi32, #tpu.memory_space<vmem>>
        %dma_start3A_184 = tpu.memref_slice %arg3[%mul3A_172] : memref<320000xi32, #tpu.memory_space<hbm>> -> memref<128xi32, #tpu.memory_space<hbm>>
        tpu.enqueue_dma source(%dma_start3A_184 : memref<128xi32, #tpu.memory_space<hbm>>) target(%dma_start3A_183 : memref<128xi32, #tpu.memory_space<vmem>>) target_semaphore(%run_scoped3A_176 : memref<!tpu.dma_semaphore, #tpu.memory_space<semaphore_mem>>)
        %dma_wait3A_185 = arith.constant 0 : i32
        %dma_wait3A_186 = tpu.memref_slice %arg10[%run_scoped3A_173, %dma_wait3A_185] : memref<4x128xi32, #tpu.memory_space<vmem>> -> memref<1x128xi32, #tpu.memory_space<vmem>>
        %dma_wait3A_187 = tpu.memref_squeeze %dma_wait3A_186 : memref<1x128xi32, #tpu.memory_space<vmem>> -> memref<128xi32, #tpu.memory_space<vmem>>
        %dma_wait3A_188 = tpu.memref_slice %arg3[%mul3A_172] : memref<320000xi32, #tpu.memory_space<hbm>> -> memref<128xi32, #tpu.memory_space<hbm>>
        %dma_wait3A_189 = arith.constant 0 : i32
        %dma_wait3A_190 = tpu.memref_slice %arg10[%run_scoped3A_173, %dma_wait3A_189] : memref<4x128xi32, #tpu.memory_space<vmem>> -> memref<1x128xi32, #tpu.memory_space<vmem>>
        %dma_wait3A_191 = tpu.memref_squeeze %dma_wait3A_190 : memref<1x128xi32, #tpu.memory_space<vmem>> -> memref<128xi32, #tpu.memory_space<vmem>>
        %dma_wait3A_192 = tpu.memref_slice %arg3[%mul3A_172] : memref<320000xi32, #tpu.memory_space<hbm>> -> memref<128xi32, #tpu.memory_space<hbm>>
        tpu.wait_dma2 semaphore(%run_scoped3A_176 : memref<!tpu.dma_semaphore, #tpu.memory_space<semaphore_mem>>) src(%dma_wait3A_192 : memref<128xi32, #tpu.memory_space<hbm>>) dst(%dma_wait3A_191 : memref<128xi32, #tpu.memory_space<vmem>>)
        tpu.yield
      }) : () -> ()
      "tpu.region"() ({
        %run_scoped3A_176 = tpu.sem_alloc : memref<!tpu.dma_semaphore, #tpu.memory_space<semaphore_mem>>
        %dma_start3A_177 = arith.constant 0 : i32
        %dma_start3A_178 = tpu.memref_slice %arg2[%mul3A_172, %dma_start3A_177] : memref<320000x128xf32, #tpu.memory_space<hbm>> -> memref<128x128xf32, #tpu.memory_space<hbm>>
        %dma_start3A_179 = arith.constant 0 : i32
        %dma_start3A_180 = tpu.memref_slice %arg2[%mul3A_172, %dma_start3A_179] : memref<320000x128xf32, #tpu.memory_space<hbm>> -> memref<128x128xf32, #tpu.memory_space<hbm>>
        tpu.enqueue_dma source(%dma_start3A_180 : memref<128x128xf32, #tpu.memory_space<hbm>>) target(%arg8 : memref<128x128xf32, #tpu.memory_space<vmem>>) target_semaphore(%run_scoped3A_176 : memref<!tpu.dma_semaphore, #tpu.memory_space<semaphore_mem>>)
        %dma_wait3A_181 = arith.constant 0 : i32
        %dma_wait3A_182 = tpu.memref_slice %arg2[%mul3A_172, %dma_wait3A_181] : memref<320000x128xf32, #tpu.memory_space<hbm>> -> memref<128x128xf32, #tpu.memory_space<hbm>>
        %dma_wait3A_183 = arith.constant 0 : i32
        %dma_wait3A_184 = tpu.memref_slice %arg2[%mul3A_172, %dma_wait3A_183] : memref<320000x128xf32, #tpu.memory_space<hbm>> -> memref<128x128xf32, #tpu.memory_space<hbm>>
        tpu.wait_dma2 semaphore(%run_scoped3A_176 : memref<!tpu.dma_semaphore, #tpu.memory_space<semaphore_mem>>) src(%dma_wait3A_184 : memref<128x128xf32, #tpu.memory_space<hbm>>) dst(%arg8 : memref<128x128xf32, #tpu.memory_space<vmem>>)
        tpu.yield
      }) : () -> ()
      %run_scoped3A_174 = arith.constant 0 : i32
      "tpu.region"() ({
        %run_scoped3A_176 = tpu.sem_alloc : memref<!tpu.dma_semaphore, #tpu.memory_space<semaphore_mem>>
        %dma_start3A_177 = arith.constant 0 : i32
        %dma_start3A_178 = tpu.memref_slice %arg10[%run_scoped3A_174, %dma_start3A_177] : memref<4x128xi32, #tpu.memory_space<vmem>> -> memref<1x128xi32, #tpu.memory_space<vmem>>
        %dma_start3A_179 = tpu.memref_squeeze %dma_start3A_178 : memref<1x128xi32, #tpu.memory_space<vmem>> -> memref<128xi32, #tpu.memory_space<vmem>>
        %dma_start3A_180 = arith.constant 0 : i32
        %dma_start3A_181 = arith.constant 0 : i32
        %dma_start3A_182 = tpu.memref_slice %arg12[%dma_start3A_180, %dma_start3A_181] : memref<10240x128xf32, #tpu.memory_space<vmem_shared>> -> memref<10240x128xf32, #tpu.memory_space<vmem_shared>>
        tpu.enqueue_indirect_dma source(%arg8 : memref<128x128xf32, #tpu.memory_space<vmem>>) target(%dma_start3A_182 : memref<10240x128xf32, #tpu.memory_space<vmem_shared>>) offsets(%dma_start3A_179 : memref<128xi32, #tpu.memory_space<vmem>>) semaphore(%run_scoped3A_176 : memref<!tpu.dma_semaphore, #tpu.memory_space<semaphore_mem>>) {add = true}
        %dma_wait3A_183 = arith.constant 0 : i32
        %dma_wait3A_184 = tpu.memref_slice %arg10[%run_scoped3A_174, %dma_wait3A_183] : memref<4x128xi32, #tpu.memory_space<vmem>> -> memref<1x128xi32, #tpu.memory_space<vmem>>
        %dma_wait3A_185 = tpu.memref_squeeze %dma_wait3A_184 : memref<1x128xi32, #tpu.memory_space<vmem>> -> memref<128xi32, #tpu.memory_space<vmem>>
        %dma_wait3A_186 = arith.constant 0 : i32
        %dma_wait3A_187 = arith.constant 0 : i32
        %dma_wait3A_188 = tpu.memref_slice %arg12[%dma_wait3A_186, %dma_wait3A_187] : memref<10240x128xf32, #tpu.memory_space<vmem_shared>> -> memref<10240x128xf32, #tpu.memory_space<vmem_shared>>
        tpu.wait_indirect_dma semaphore(%run_scoped3A_176 : memref<!tpu.dma_semaphore, #tpu.memory_space<semaphore_mem>>) src(%arg8 : memref<128x128xf32, #tpu.memory_space<vmem>>) dst(%dma_wait3A_188 : memref<10240x128xf32, #tpu.memory_space<vmem_shared>>)
        tpu.yield
      }) : () -> ()
      %run_scoped3A_175 = arith.constant 0 : i32
      "tpu.region"() ({
        %run_scoped3A_176 = tpu.sem_alloc : memref<!tpu.dma_semaphore, #tpu.memory_space<semaphore_mem>>
        %dma_start3A_177 = arith.constant 0 : i32
        %dma_start3A_178 = tpu.memref_slice %arg10[%run_scoped3A_175, %dma_start3A_177] : memref<4x128xi32, #tpu.memory_space<vmem>> -> memref<1x128xi32, #tpu.memory_space<vmem>>
        %dma_start3A_179 = tpu.memref_squeeze %dma_start3A_178 : memref<1x128xi32, #tpu.memory_space<vmem>> -> memref<128xi32, #tpu.memory_space<vmem>>
        %dma_start3A_180 = arith.constant 0 : i32
        %dma_start3A_181 = tpu.memref_slice %arg13[%dma_start3A_180] : memref<10240xf32, #tpu.memory_space<vmem_shared>> -> memref<10240xf32, #tpu.memory_space<vmem_shared>>
        tpu.enqueue_indirect_dma source(%arg11 : memref<128xf32, #tpu.memory_space<vmem>>) target(%dma_start3A_181 : memref<10240xf32, #tpu.memory_space<vmem_shared>>) offsets(%dma_start3A_179 : memref<128xi32, #tpu.memory_space<vmem>>) semaphore(%run_scoped3A_176 : memref<!tpu.dma_semaphore, #tpu.memory_space<semaphore_mem>>) {add = true}
        %dma_wait3A_182 = arith.constant 0 : i32
        %dma_wait3A_183 = tpu.memref_slice %arg10[%run_scoped3A_175, %dma_wait3A_182] : memref<4x128xi32, #tpu.memory_space<vmem>> -> memref<1x128xi32, #tpu.memory_space<vmem>>
        %dma_wait3A_184 = tpu.memref_squeeze %dma_wait3A_183 : memref<1x128xi32, #tpu.memory_space<vmem>> -> memref<128xi32, #tpu.memory_space<vmem>>
        %dma_wait3A_185 = arith.constant 0 : i32
        %dma_wait3A_186 = tpu.memref_slice %arg13[%dma_wait3A_185] : memref<10240xf32, #tpu.memory_space<vmem_shared>> -> memref<10240xf32, #tpu.memory_space<vmem_shared>>
        tpu.wait_indirect_dma semaphore(%run_scoped3A_176 : memref<!tpu.dma_semaphore, #tpu.memory_space<semaphore_mem>>) src(%arg11 : memref<128xf32, #tpu.memory_space<vmem>>) dst(%dma_wait3A_186 : memref<10240xf32, #tpu.memory_space<vmem_shared>>)
        tpu.yield
      }) : () -> ()
    } else {
    }
    %barrier3A_163 = arith.constant 0 : index
    tpu.barrier barrier_id(%barrier3A_163)
    "tpu.region"() ({
      %run_scoped3A_169 = tpu.sem_alloc : memref<!tpu.dma_semaphore, #tpu.memory_space<semaphore_mem>>
      %dma_start3A_170 = arith.constant 0 : i32
      %dma_start3A_171 = tpu.memref_slice %arg6[%arg0, %mul3A_2, %dma_start3A_170] : memref<2x10240x128xf32, #tpu.memory_space<hbm>> -> memref<1x640x128xf32, #tpu.memory_space<hbm>>
      %dma_start3A_172 = tpu.memref_squeeze %dma_start3A_171 : memref<1x640x128xf32, #tpu.memory_space<hbm>> -> memref<640x128xf32, #tpu.memory_space<hbm>>
      %dma_start3A_173 = arith.constant 0 : i32
      %dma_start3A_174 = tpu.memref_slice %arg12[%mul3A_2, %dma_start3A_173] : memref<10240x128xf32, #tpu.memory_space<vmem_shared>> -> memref<640x128xf32, #tpu.memory_space<vmem_shared>>
      tpu.enqueue_dma source(%dma_start3A_174 : memref<640x128xf32, #tpu.memory_space<vmem_shared>>) target(%dma_start3A_172 : memref<640x128xf32, #tpu.memory_space<hbm>>) target_semaphore(%run_scoped3A_169 : memref<!tpu.dma_semaphore, #tpu.memory_space<semaphore_mem>>)
      %dma_wait3A_175 = arith.constant 0 : i32
      %dma_wait3A_176 = tpu.memref_slice %arg6[%arg0, %mul3A_2, %dma_wait3A_175] : memref<2x10240x128xf32, #tpu.memory_space<hbm>> -> memref<1x640x128xf32, #tpu.memory_space<hbm>>
      %dma_wait3A_177 = tpu.memref_squeeze %dma_wait3A_176 : memref<1x640x128xf32, #tpu.memory_space<hbm>> -> memref<640x128xf32, #tpu.memory_space<hbm>>
      %dma_wait3A_178 = arith.constant 0 : i32
      %dma_wait3A_179 = tpu.memref_slice %arg12[%mul3A_2, %dma_wait3A_178] : memref<10240x128xf32, #tpu.memory_space<vmem_shared>> -> memref<640x128xf32, #tpu.memory_space<vmem_shared>>
      tpu.wait_dma2 semaphore(%run_scoped3A_169 : memref<!tpu.dma_semaphore, #tpu.memory_space<semaphore_mem>>) src(%dma_wait3A_179 : memref<640x128xf32, #tpu.memory_space<vmem_shared>>) dst(%dma_wait3A_177 : memref<640x128xf32, #tpu.memory_space<hbm>>)
      tpu.yield
    }) : () -> ()
    %eq3A_164 = arith.constant 0 : i32
    %eq3A_165 = arith.cmpi eq, %arg1, %eq3A_164 : i32
    %convert_element_type3A_166 = arith.extui %eq3A_165 : i1 to i32
    %cond3A_167 = arith.constant 0 : i32
    %cond3A_168 = arith.cmpi ne, %convert_element_type3A_166, %cond3A_167 : i32
    scf.if %cond3A_168 {
      %run_scoped3A_169 = arith.constant 0 : i32
      "tpu.region"() ({
        %run_scoped3A_170 = tpu.sem_alloc : memref<!tpu.dma_semaphore, #tpu.memory_space<semaphore_mem>>
        %dma_start3A_171 = arith.constant 0 : i32
        %dma_start3A_172 = tpu.memref_slice %arg7[%arg0, %run_scoped3A_169, %dma_start3A_171] : memref<2x1x10240xf32, #tpu.memory_space<hbm>> -> memref<1x1x10240xf32, #tpu.memory_space<hbm>>
        %dma_start3A_173 = tpu.memref_squeeze %dma_start3A_172 : memref<1x1x10240xf32, #tpu.memory_space<hbm>> -> memref<10240xf32, #tpu.memory_space<hbm>>
        tpu.enqueue_dma source(%arg13 : memref<10240xf32, #tpu.memory_space<vmem_shared>>) target(%dma_start3A_173 : memref<10240xf32, #tpu.memory_space<hbm>>) target_semaphore(%run_scoped3A_170 : memref<!tpu.dma_semaphore, #tpu.memory_space<semaphore_mem>>)
        %dma_wait3A_174 = arith.constant 0 : i32
        %dma_wait3A_175 = tpu.memref_slice %arg7[%arg0, %run_scoped3A_169, %dma_wait3A_174] : memref<2x1x10240xf32, #tpu.memory_space<hbm>> -> memref<1x1x10240xf32, #tpu.memory_space<hbm>>
        %dma_wait3A_176 = tpu.memref_squeeze %dma_wait3A_175 : memref<1x1x10240xf32, #tpu.memory_space<hbm>> -> memref<10240xf32, #tpu.memory_space<hbm>>
        tpu.wait_dma2 semaphore(%run_scoped3A_170 : memref<!tpu.dma_semaphore, #tpu.memory_space<semaphore_mem>>) src(%arg13 : memref<10240xf32, #tpu.memory_space<vmem_shared>>) dst(%dma_wait3A_176 : memref<10240xf32, #tpu.memory_space<hbm>>)
        tpu.yield
      }) : () -> ()
    } else {
    }
    return
  }
}

module attributes {stable_mosaic.version = 14 : i64} {
  func.func @_tc_body(%arg0: memref<2x10240x128xf32, #tpu.memory_space<vmem>>, %arg1: memref<2x1x10240xf32, #tpu.memory_space<vmem>>, %arg2: memref<128x128xf32, #tpu.memory_space<vmem>>, %arg3: memref<128xf32, #tpu.memory_space<vmem>>, %arg4: memref<128x128xf32, #tpu.memory_space<vmem>>, %arg5: memref<128xf32, #tpu.memory_space<vmem>>, %arg6: memref<10000x128xf32, #tpu.memory_space<vmem>>) attributes {dimension_semantics = [], scalar_prefetch = 0 : i64, scratch_operands = 0 : i64, tpu.core_type = #tpu.core_type<tc>} {
    %get3A = arith.constant 0 : index
    %get3A_0 = arith.constant 0 : index
    %get3A_1 = arith.constant 0 : index
    %get3A_2 = vector.load %arg0[%get3A, %get3A_0, %get3A_1] : memref<2x10240x128xf32, #tpu.memory_space<vmem>>, vector<1x10240x128xf32>
    %get3A_3 = vector.shape_cast %get3A_2 : vector<1x10240x128xf32> to vector<10240x128xf32>
    %get3A_4 = arith.constant 1 : index
    %get3A_5 = arith.constant 0 : index
    %get3A_6 = arith.constant 0 : index
    %get3A_7 = vector.load %arg0[%get3A_4, %get3A_5, %get3A_6] : memref<2x10240x128xf32, #tpu.memory_space<vmem>>, vector<1x10240x128xf32>
    %get3A_8 = vector.shape_cast %get3A_7 : vector<1x10240x128xf32> to vector<10240x128xf32>
    %add3A = arith.addf %get3A_3, %get3A_8 : vector<10240x128xf32>
    %slice3A = vector.extract_strided_slice %add3A {offsets = [0, 0], sizes = [10000, 128], strides = [1, 1]} : vector<10240x128xf32> to vector<10000x128xf32>
    %get3A_9 = arith.constant 0 : index
    %get3A_10 = arith.constant 0 : index
    %get3A_11 = vector.load %arg2[%get3A_9, %get3A_10] : memref<128x128xf32, #tpu.memory_space<vmem>>, vector<128x128xf32>
    %get3A_12 = arith.constant 0 : index
    %get3A_13 = arith.constant 0 : index
    %get3A_14 = vector.load %arg4[%get3A_12, %get3A_13] : memref<128x128xf32, #tpu.memory_space<vmem>>, vector<128x128xf32>
    %dot_general3A = arith.constant dense<0.000000e+00> : vector<128x128xf32>
    %dot_general3A_15 = tpu.matmul %get3A_11, %get3A_14, %dot_general3A {dimension_numbers = #tpu.dot_dimension_numbers<[1], [0], [0], [1], [0, 0, 1, 1], [], []>, transpose_lhs_hint = false} : vector<128x128xf32>, vector<128x128xf32>, vector<128x128xf32> -> vector<128x128xf32>
    %get3A_16 = arith.constant 0 : index
    %get3A_17 = vector.load %arg3[%get3A_16] : memref<128xf32, #tpu.memory_space<vmem>>, vector<128xf32>
    %get3A_18 = arith.constant 0 : index
    %get3A_19 = arith.constant 0 : index
    %get3A_20 = vector.load %arg4[%get3A_18, %get3A_19] : memref<128x128xf32, #tpu.memory_space<vmem>>, vector<128x128xf32>
    %dot_general3A_21 = arith.constant dense<0.000000e+00> : vector<128xf32>
    %dot_general3A_22 = tpu.matmul %get3A_17, %get3A_20, %dot_general3A_21 {dimension_numbers = #tpu.dot_dimension_numbers<[0], [0], [], [1], [1, 1], [], []>, transpose_lhs_hint = false} : vector<128xf32>, vector<128x128xf32>, vector<128xf32> -> vector<128xf32>
    %get3A_23 = arith.constant 0 : index
    %get3A_24 = vector.load %arg5[%get3A_23] : memref<128xf32, #tpu.memory_space<vmem>>, vector<128xf32>
    %add3A_25 = arith.addf %dot_general3A_22, %get3A_24 : vector<128xf32>
    %get3A_26 = arith.constant 0 : index
    %get3A_27 = arith.constant 0 : index
    %get3A_28 = arith.constant 0 : index
    %get3A_29 = vector.load %arg1[%get3A_26, %get3A_27, %get3A_28] : memref<2x1x10240xf32, #tpu.memory_space<vmem>>, vector<1x1x10240xf32>
    %get3A_30 = vector.shape_cast %get3A_29 : vector<1x1x10240xf32> to vector<10240xf32>
    %get3A_31 = arith.constant 1 : index
    %get3A_32 = arith.constant 0 : index
    %get3A_33 = arith.constant 0 : index
    %get3A_34 = vector.load %arg1[%get3A_31, %get3A_32, %get3A_33] : memref<2x1x10240xf32, #tpu.memory_space<vmem>>, vector<1x1x10240xf32>
    %get3A_35 = vector.shape_cast %get3A_34 : vector<1x1x10240xf32> to vector<10240xf32>
    %add3A_36 = arith.addf %get3A_30, %get3A_35 : vector<10240xf32>
    %slice3A_37 = vector.extract_strided_slice %add3A_36 {offsets = [0], sizes = [10000], strides = [1]} : vector<10240xf32> to vector<10000xf32>
    %dot_general3A_38 = arith.constant dense<0.000000e+00> : vector<10000x128xf32>
    %dot_general3A_39 = tpu.matmul %slice3A, %dot_general3A_15, %dot_general3A_38 {dimension_numbers = #tpu.dot_dimension_numbers<[1], [0], [0], [1], [0, 0, 1, 1], [], []>, transpose_lhs_hint = false} : vector<10000x128xf32>, vector<128x128xf32>, vector<10000x128xf32> -> vector<10000x128xf32>
    %broadcast_in_dim3A = vector.shape_cast %slice3A_37 : vector<10000xf32> to vector<10000x1xf32>
    %broadcast_in_dim3A_40 = vector.shape_cast %add3A_25 : vector<128xf32> to vector<1x128xf32>
    %mul3A = vector.broadcast %broadcast_in_dim3A : vector<10000x1xf32> to vector<10000x128xf32>
    %mul3A_41 = vector.broadcast %broadcast_in_dim3A_40 : vector<1x128xf32> to vector<10000x128xf32>
    %mul3A_42 = arith.mulf %mul3A, %mul3A_41 : vector<10000x128xf32>
    %add3A_43 = arith.addf %dot_general3A_39, %mul3A_42 : vector<10000x128xf32>
    %swap3A = arith.constant 0 : index
    %swap3A_44 = arith.constant 0 : index
    %swap3A_45 = vector.load %arg6[%swap3A, %swap3A_44] : memref<10000x128xf32, #tpu.memory_space<vmem>>, vector<10000x128xf32>
    tpu.vector_store %arg6[%swap3A, %swap3A_44], %add3A_43 {strides = array<i32>} : memref<10000x128xf32, #tpu.memory_space<vmem>>, vector<10000x128xf32>,
    return
  }
}

</mosaic_0001>

<sc_bundles>
// kernel: kernel.4.cloned.1.call-start
scs
__scs_entry_jumppad:
0x0: {  	(pc) =	sbr.rel $0x88, $3  }
0x1: {  	(tag) =	ssettag $0x0;
	lr =	simm.s32 $0x1  }
0x2: {  	[smem:$0x3F9B] =	sst lr;
	_ =	strace $0xD0000000  }
0x3: {  	_ = 	snop  }
0x4: {  	_ = 	snop  }
0x5: {  	_ = 	snop  }
0x6: {  	_ = 	snop  }
0x7: {  	_ = 	snop  }
__scs_overlays_trampoline_lowered:
0x8: {  	[smem:$0x3FAA] =	sst s0  }
0x9: {  	[smem:$0x3FAB] =	sst s1  }
0xa: {  	[smem:$0x3FAC] =	sst s2  }
0xb: {  	[smem:$0x3FAD] =	sst s3  }
0xc: {  	[smem:$0x3FAE] =	sst s4  }
0xd: {  	[smem:$0x3FAF] =	sst s5  }
0xe: {  	[smem:$0x3FB0] =	sst s6  }
0xf: {  	[smem:$0x3FB1] =	sst s7  }
0x10: {  	[smem:$0x3FB2] =	sst s8  }
0x11: {  	[smem:$0x3FB3] =	sst s9;
	s0 =	simm.s32 @!p0 $0x0  }
0x12: {  	s1 =	sld [smem:$0x3F99];
	s0 =	simm.s32 @p0 $0x1  }
0x13: {  	[smem:$0x3FB4] =	sst s0;
	s0 =	simm.s32 @!p1 $0x0  }
0x14: {  	s2 =	sld [smem:$0x3F98];
	s0 =	simm.s32 @p1 $0x1  }
0x15: {  	[smem:$0x3FB5] =	sst s0;
	s0 =	simm.s32 @!p2 $0x0  }
0x16: {  	s3 =	sld [smem:$0x3FDB];
	s0 =	simm.s32 @p2 $0x1  }
0x17: {  	s4 =	simm.s32 $0x1BF5;
	[smem:$0x3FB7] =	sst s0  }
0x18: {  	s0 =	sld [smem:$0x3F9A];
	_ =	swait.ge [sflag:s4], $0x0  }
0x19: {  	s7 =	sld [smem:$0x3F9B]  }
0x1a: {  	s8 =	sadd.s32 $0xFFFFE003, lr  }
0x1b: {  	s9 =	sadd.s32 $0xFFFFFEF7, lr;
	s5 =	simm.s32 $0xFFFFFFFF;
	p2 =	slt.u32 s8, $0xFFFFF086  }
0x1c: {  	p1 =	slt.u32 s9, $0xF7A;
	s5 =	simm.s32 @!p2 $0x0  }
0x1d: {  	s5 =	simm.s32 @p1 $0x1;
	p0 =	seq.s32 s7, s2  }
0x1e: {  	s7 =	smul.u32 @!p0 $0xF7A, s2;
	p2 =	seq.s32 @!p0 s5, $0x0  }
0x1f: {  	s9 =	smul.u32 $0xF7A, s1;
	s8 =	simm.s32 @!p0 $0x1BF5;
	p2 =	por !p2, p0  }
0x20: {  	[sflag:s8] =	ssyncset.s32 @!p0 $0xFFFFF086;
	s6 =	sadd.s32 @!p0 s3, s7;
	s7 =	simm.s32 @!p0 $0x108  }
0x21: {  	s3 =	sadd.s32 s3, s9;
	s6 =	sadd.s32 @!p0 $0x88, s6;
	s7 =	simm.s32 @p2 $0x1082  }
0x22: {  	[simem:s7], [sflag:s8] =	dma.local @!p0 [hbm:s6], $0xF7A  }
0x23: {  	s9 =	sor.u32 $0xD0000000, s2;
	s6 =	simm.s32 $0x108;
	_ =	swait.ge @!p0 [sflag:s8], $0x0  }
0x24: {  	s3 =	sadd.s32 $0x88, s3;
	s6 =	simm.s32 @!p1 $0x1082;
	[sflag:s4] =	ssyncset.s32 $0xFFFFF086  }
0x25: {  	[simem:s6], [sflag:s4] =	dma.local [hbm:s3], $0xF7A  }
0x26: {  	[smem:$0x3F9B] =	sst s1;
	(tag) =	ssettag s2;
	_ =	strace s9  }
0x27: {  	s1 =	sld [smem:$0x3FAB]  }
0x28: {  	s2 =	sld [smem:$0x3FAC]  }
0x29: {  	s4 =	sld [smem:$0x3FAE]  }
0x2a: {  	p0 =	seq.s32 s5, $0x0;
	s5 =	sld [smem:$0x3FAF]  }
0x2b: {  	s6 =	sld [smem:$0x3FB0]  }
0x2c: {  	s7 =	sld [smem:$0x3FB1]  }
0x2d: {  	s3 =	simm.s32 $0x108;
	s8 =	sld [smem:$0x3FB2]  }
0x2e: {  	s3 =	simm.s32 @!p0 $0x1082;
	s9 =	sld [smem:$0x3FB3]  }
0x2f: {  	lr =	sadd.s32 s0, s3;
	s0 =	sld [smem:$0x3FAA]  }
0x30: {  	s3 =	sld [smem:$0x3FAD]  }
0x31: {  	[smem:$0x3FB6] =	sst s10  }
0x32: {  	s10 =	sld [smem:$0x3FB4];
	_ =	sdelay $0x3  }
0x33: {  	p0 =	seq.s32 s10, $0x1;
	s10 =	sld [smem:$0x3FB6];
	_ =	sdelay $0x3  }
0x34: {  	[smem:$0x3FB6] =	sst s10  }
0x35: {  	s10 =	sld [smem:$0x3FB5];
	_ =	sdelay $0x3  }
0x36: {  	p1 =	seq.s32 s10, $0x1;
	s10 =	sld [smem:$0x3FB6];
	_ =	sdelay $0x3  }
0x37: {  	[smem:$0x3FB6] =	sst s10  }
0x38: {  	s10 =	sld [smem:$0x3FB7]  }
0x39: {  	_ = 	snop;
	(pc) =	sbr.ind lr, $3  }
0x3a: {  	_ = 	snop  }
0x3b: {  	_ = 	snop  }
0x3c: {  	p2 =	seq.s32 s10, $0x1;
	s10 =	sld [smem:$0x3FB6]  }
0x3d: {  	_ =	shalt  }
0x3e: {  	_ =	shalt  }
0x3f: {  	_ =	shalt  }
0x40: {  	_ =	shalt  }
0x41: {  	_ =	shalt  }
0x42: {  	_ =	shalt  }
0x43: {  	_ =	shalt  }
0x44: {  	_ =	shalt  }
0x45: {  	_ =	shalt  }
0x46: {  	_ =	shalt  }
0x47: {  	_ =	shalt  }
0x48: {  	_ =	shalt  }
0x49: {  	_ =	shalt  }
0x4a: {  	_ =	shalt  }
0x4b: {  	_ =	shalt  }
0x4c: {  	_ =	shalt  }
0x4d: {  	_ =	shalt  }
0x4e: {  	_ =	shalt  }
0x4f: {  	_ =	shalt  }
0x50: {  	_ =	shalt  }
0x51: {  	_ =	shalt  }
0x52: {  	_ =	shalt  }
0x53: {  	_ =	shalt  }
0x54: {  	_ =	shalt  }
0x55: {  	_ =	shalt  }
0x56: {  	_ =	shalt  }
0x57: {  	_ =	shalt  }
0x58: {  	_ =	shalt  }
0x59: {  	_ =	shalt  }
0x5a: {  	_ =	shalt  }
0x5b: {  	_ =	shalt  }
0x5c: {  	_ =	shalt  }
0x5d: {  	_ =	shalt  }
0x5e: {  	_ =	shalt  }
0x5f: {  	_ =	shalt  }
0x60: {  	_ =	shalt  }
0x61: {  	_ =	shalt  }
0x62: {  	_ =	shalt  }
0x63: {  	_ =	shalt  }
0x64: {  	_ =	shalt  }
0x65: {  	_ =	shalt  }
0x66: {  	_ =	shalt  }
0x67: {  	_ =	shalt  }
0x68: {  	_ =	shalt  }
0x69: {  	_ =	shalt  }
0x6a: {  	_ =	shalt  }
0x6b: {  	_ =	shalt  }
0x6c: {  	_ =	shalt  }
0x6d: {  	_ =	shalt  }
0x6e: {  	_ =	shalt  }
0x6f: {  	_ =	shalt  }
0x70: {  	_ =	shalt  }
0x71: {  	_ =	shalt  }
0x72: {  	_ =	shalt  }
0x73: {  	_ =	shalt  }
0x74: {  	_ =	shalt  }
0x75: {  	_ =	shalt  }
0x76: {  	_ =	shalt  }
0x77: {  	_ =	shalt  }
0x78: {  	_ =	shalt  }
0x79: {  	_ =	shalt  }
0x7a: {  	_ =	shalt  }
0x7b: {  	_ =	shalt  }
0x7c: {  	_ =	shalt  }
0x7d: {  	_ =	shalt  }
0x7e: {  	_ =	shalt  }
0x7f: {  	_ =	shalt  }
0x80: {  	_ =	shalt  }
0x81: {  	_ =	shalt  }
0x82: {  	_ =	shalt  }
0x83: {  	_ =	shalt  }
0x84: {  	_ =	shalt  }
0x85: {  	_ =	shalt  }
0x86: {  	_ =	shalt  }
0x87: {  	_ =	shalt  }
.Lfunc_end0:
.L_simem_size_0:
called_computation_lowered:
.L_overlay_start_0:
0x88: {  	s2 =	sld [smem:$0x3FD9]  }
0x89: {  	s3 =	sld [smem:$0x3FFE];
	_ =	sdelay $0x1  }
0x8a: {  	s1 =	srdreg.scid  }
0x8b: {  	s0 =	sand.u32 $0x1, s1  }
0x8c: {  	s17 =	sshll.u32 s0, $0xA;
	s2 =	sadd.s32 s3, s2  }
0x8d: {  	s2 =	sadd.s32 s2, s17  }
0x8e: {  	[smem:$0x3FC2] =	sst s2  }
0x8f: {  	_ = 	snop  }
0x90: {  	s2 =	sld [smem:$0x3FC9]  }
0x91: {  	s18 =	sld [smem:$0x3FD0];
	(tm) =	ssettm $0x1  }
0x92: {  	s4 =	sld [smem:$0x3FFB];
	_ =	sdelay $0x3  }
0x93: {  	_ =	strace s4  }
0x94: {  	s4 =	sld [smem:$0x3FFC];
	_ =	sdelay $0x3  }
0x95: {  	_ =	strace s4  }
0x96: {  	s4 =	sld [smem:$0x3FFD];
	_ =	sdelay $0x3  }
0x97: {  	_ =	strace s4  }
0x98: {  	_ =	strace $0x8FFFFFFF  }
0x99: {  	s19 =	sld [smem:$0x3FDB];
	_ =	sdelay $0x1  }
0x9a: {  	s5 =	simm.s32 $_scs_section_size  }
0x9b: {  	s6 =	simm.s32 $_size__tile_overlayer_lowered;
	s7 =	simm.s32 $_tile_overlayer_lowered  }
0x9c: {  	s22 =	simm.s32 $0x1BFF;
	s21 =	sshll.u32 s7, $0x1;
	s4 =	sadd.s32 s5, s19  }
0x9d: {  	s8 =	simm.s32 $0x0;
	s20 =	sshll.u32 s6, $0x1;
	s6 =	sadd.s32 s21, s4  }
0x9e: {  	[timem:s8], [sflag:s22] =	dma.local [hbm:s6], s20  }
0x9f: {  	_ =	swait.ge [sflag:s22], s20  }
0xa0: {  	s5 =	ssub.s32 $0x0, s20;
	[sflag:s22] =	ssyncset.done $0x0  }
0xa1: {  	[sflag:s22] =	ssyncadd.s32 s5;
	_ =	sdelay $0x1  }
0xa2: {  	s23 =	simm.s32 $0x1B8B  }
0xa3: {  	_ =	swait.ge [sflag:s23], $0x1  }
0xa4: {  	[sflag:s23] =	ssyncset.done $0x0  }
0xa5: {  	s25 =	simm.s32 $0x1B8E;
	s24 =	sld [smem:$0x3FFE];
	[sflag:s23] =	ssyncadd.s32 $0xFFFFFFFF  }
0xa6: {  	s26 =	simm.s32 $execute0_lowered;
	[smem:$0x3FD2] =	sst s25  }
0xa7: {  	s6 =	sshll.u32 s26, $0x1;
	_ =	strace $0x80000046;
	[dreg:$0x1] =	wrdreg $0xFFFFFFFF  }
0xa8: {  	s28 =	simm.s32 $_size_execute0_lowered;
	s4 =	sadd.s32 s4, s6;
	[dreg:$0x0] =	wrdreg $0x0  }
0xa9: {  	s6 =	sshll.u32 s28, $0x1;
	[dreg:$0x2] =	wrdreg s4  }
0xaa: {  	[dreg:$0x3] =	wrdreg s6  }
0xab: {  	[dreg:$0x4] =	wrdreg $0xC0  }
0xac: {  	_ =	task [dreg:s8], $0x5FFFF  }
0xad: {  	[dreg:$0x1] =	wrdreg $0xFFFFFFFF  }
0xae: {  	[dreg:$0x0] =	wrdreg $0x60  }
0xaf: {  	[dreg:$0x2] =	wrdreg s2  }
0xb0: {  	[dreg:$0x3] =	wrdreg s18  }
0xb1: {  	[dreg:$0x4] =	wrdreg s24  }
0xb2: {  	[dreg:$0x5] =	wrdreg $0x82800  }
0xb3: {  	[dreg:$0x6] =	wrdreg $0x1C2800  }
0xb4: {  	[dreg:$0x7] =	wrdreg $0x9  }
0xb5: {  	_ =	task.clear_ibuf [dreg:s8], $0x8FFFF;
	_ =	strace $0x90000046  }
0xb6: {  	s29 =	simm.s32 $0x9;
	_ =	strace $0x80000048  }
0xb7: {  	_ =	swait.ge [sflag:s29], $0x1  }
0xb8: {  	[sflag:s29] =	ssyncadd.s32 $0xFFFFFFFF  }
0xb9: {  	_ =	strace $0x90000048  }
0xba: {  	_ =	sfence  }
0xbb: {  	s30 =	sld [smem:$0x0];
	_ =	sdelay $0x2  }
0xbc: {  	s31 =	sshll.u32 s1, $0xD;
	s1 =	sshrl.u32 s1, $0x2  }
0xbd: {  	s3 =	sand.u32 $0x4000, s31;
	s1 =	sadd.s32 s1, s30  }
0xbe: {  	s0 =	sor.u32 s3, s0;
	s1 =	sshll.u32 s1, $0x11  }
0xbf: {  	s0 =	sor.u32 s1, s0  }
0xc0: {  	s0 =	sadd.s32 $0x8F2B, s0  }
0xc1: {  	[sflag:s0] =	ssyncadd.remote.s32 $0x1  }
0xc2: {  	_ =	sfence.sel $0xFFFF  }
0xc3: {  	[dreg:$0x0] =	wrdreg $0xFFFFFFFF;
	(pc) =	sbr.abs _section_cstart, $3  }
0xc4: {  	[dreg:$0x1] =	wrdreg $0xFFFFFFFF  }
0xc5: {  	_ =	task.clear_ibuf [dreg:s8], $0x2FFFF;
	_ =	strace $0x9FFFFFFF  }
0xc6: {  	(tm) =	ssettm $0x7FFFFFFF  }
0xc7: {  	_ =	shalt  }
tec
execute0_lowered:
.L_overlay_start_1:
0x0: {  	(tag) =	ssettag $0x1  }
0x1: {  	s1 =	rddreg [dreg:$0x0]  }
0x2: {  	s26 =	rddreg [dreg:$0x1]  }
0x3: {  	s6 =	rddreg [dreg:$0x2]  }
0x4: {  	s3 =	rddreg [dreg:$0x3]  }
0x5: {  	s4 =	rddreg [dreg:$0x4]  }
0x6: {  	s2 =	stileid.u32;
	s8 =	srdreg.scid  }
0x7: {  	s5 =	simm.s32 $0x0;
	s28 =	simm.s32 $0x1;
	s29 =	simm.s32 $0x80  }
0x8: {  	s31 =	simm.s32 $0x8080;
	s30 =	simm.s32 $0x8000;
	s7 =	smul.u32 $0x14000, s2  }
0x9: {  	s8 =	sand.u32 $0x1, s8;
	[smem:$0x7FF] =	sst s5;
	s0 =	sadd.s32 $0x1000, s6  }
0xa: {  	s12 =	smul.u32 $0x50000, s2;
	s14 =	sshll.u32 s2, $0x1;
	s16 =	sshll.u32 s2, $0x6  }
0xb: {  	p0 =	sne.s32 s2, $0x0;
	p1 =	sgt.u32 s2, $0x1;
	s10 =	smul.u32 $0x140000, s8  }
0xc: {  	_ =	strace $0x80000047;
	[dreg:$0x7] =	wrdreg s0;
	s11 =	ssub.s32 $0x2, s8  }
0xd: {  	s0 =	smul.u32 $0x500, s8;
	s9 =	sshrl.u32 s7, $0x3;
	s13 =	sshrl.u32 s11, $0x1  }
0xe: {  	s12 =	sshrl.u32 s12, $0x2;
	s9 =	sadd.s32 s9, s6;
	s7 =	sadd.s32 s7, s10  }
0xf: {  	s11 =	ssub.s32 s11, s13;
	s13 =	sor.u32 s8, s14;
	s15 =	sadd.s32 s12, s3  }
0x10: {  	s7 =	sshrl.u32 s7, $0x3;
	[dreg:$0x8] =	wrdreg s15;
	s17 =	sadd.s32 $0x1600, s9  }
0x11: {  	s9 =	sor.u32 $0x1C0B, s16;
	s10 =	sshll.u32 s13, $0x7;
	s18 =	sshll.u32 s13, $0x4  }
0x12: {  	s13 =	sshll.u32 s13, $0xB;
	s7 =	sadd.s32 s7, s6;
	s6 =	sadd.s32 s0, s6  }
0x13: {  	[dreg:$0x9] =	wrdreg s17;
	s14 =	sor.u32 $0x1000, s10;
	s19 =	sadd.s32 s26, s18  }
0x14: {  	s20 =	sadd.s32 s1, s13;
	s24 =	sor.u32 $0x4E000, s10;
	[dreg:$0xa] =	wrdreg s9  }
0x15: {  	s17 =	sshll.u32 s2, $0x8;
	s18 =	sshll.u32 s8, $0x7;
	[dreg:$0xb] =	wrdreg s19  }
0x16: {  	s8 =	sshll.u32 s8, $0xB;
	[dreg:$0xc] =	wrdreg s20;
	s21 =	sshrl.u32 s14, $0x3  }
0x17: {  	s23 =	sshll.u32 s14, $0x4;
	s0 =	sshrl.u32 s24, $0x3;
	s15 =	sadd.s32 $0x29600, s7  }
0x18: {  	s13 =	sshll.u32 s24, $0x4;
	s16 =	sadd.s32 $0x79600, s6;
	[dreg:$0x11] =	wrdreg s15  }
0x19: {  	s19 =	smax.u32 s11, $0x1;
	s20 =	sshll.u32 s2, $0xC;
	[dreg:$0x12] =	wrdreg s16  }
0x1a: {  	s6 =	sor.u32 s18, s17;
	s22 =	sadd.s32 s26, s21;
	[dreg:$0x13] =	wrdreg s19  }
0x1b: {  	s2 =	simm.s32 $0x2;
	s25 =	sadd.s32 s1, s23;
	[dreg:$0xd] =	wrdreg s22  }
0x1c: {  	s12 =	sadd.s32 s26, s0;
	s14 =	sadd.s32 s1, s13;
	[dreg:$0xe] =	wrdreg s25  }
0x1d: {  	s21 =	sadd.s32 s20, s1;
	s16 =	simm.s32 $0x5;
	[dreg:$0xf] =	wrdreg s12  }
0x1e: {  	s13 =	simm.s32 $0x8;
	[dreg:$0x10] =	wrdreg s14;
	s22 =	sor.u32 $0x5000, s6  }
0x1f: {  	s7 =	sadd.s32 s8, s21;
	s6 =	sor.u32 $0x4000, s6;
	s8 =	simm.s32 $0x7  }
0x20: {  	s12 =	simm.s32 $0x6;
	s14 =	simm.s32 $0x0;
	s23 =	sshrl.u32 s22, $0x3  }
0x21: {  	s24 =	sadd.s32 $0x40000, s7;
	[dreg:$0x6] =	wrdreg s6;
	s22 =	simm.s32 $0xB  }
0x22: {  	s6 =	simm.s32 $0x8100;
	[dreg:$0x14] =	wrdreg s24;
	s25 =	sadd.s32 s23, s26  }
0x23: {  	v0 =	vimm.f32 $1.000000000e+00;
	s7 =	simm.s32 $0x8180;
	[dreg:$0x15] =	wrdreg s25;
	s25 =	simm.s32 $0x4000  }
.LBB2_1:
0x24: {  	[dreg:$0x16] =	wrdreg s14  }
0x25: {  	s0 =	rddreg [dreg:$0x8]  }
0x26: {  	s17 =	rddreg [dreg:$0x9];
	s11 =	sshrl.u32 s0, $0x3  }
0x27: {  	[dreg:$0x17] =	wrdreg s11  }
0x28: {  	[spmem:s11], [sflag:s9] =	dma.local [hbm:s17], $0x2800  }
0x29: {  	s11 =	sshrl.u32 @!p0 s4, $0x3;
	_ =	swait.ge [sflag:s22], $0x2800  }
0x2a: {  	[dreg:$0x18] =	wrdreg s11;
	[sflag:s22] =	ssyncset.done $0x0  }
0x2b: {  	s14 =	simm.s32 @!p0 $0xB;
	s0 =	rddreg [dreg:$0x7];
	[sflag:s22] =	ssyncadd.s32 $0xFFFFD800  }
0x2c: {  	[spmem:s11], [sflag:s9] =	dma.local @!p0 [hbm:s0], $0x500  }
0x2d: {  	_ =	swait.ge @!p0 [sflag:s14], $0x500  }
0x2e: {  	[sflag:s14] =	ssyncset.done @!p0 $0x0  }
0x2f: {  	[sflag:s14] =	ssyncadd.s32 @!p0 $0xFFFFFB00  }
0x30: {  	[bflag:$0x0] =	sbarrier.arrive $0xFFFF  }
0x31: {  	[tilespmem:$0x8200] =	vst v0  }
0x32: {  	[tilespmem:$0x8210] =	vst v0  }
0x33: {  	[tilespmem:$0x8220] =	vst v0  }
0x34: {  	[tilespmem:$0x8230] =	vst v0  }
0x35: {  	[tilespmem:$0x8240] =	vst v0  }
0x36: {  	[tilespmem:$0x8250] =	vst v0  }
0x37: {  	[tilespmem:$0x8260] =	vst v0  }
0x38: {  	s9 =	simm.s32 $0x8000;
	[tilespmem:$0x8270] =	vst v0;
	s18 =	rddreg [dreg:$0xb]  }
0x39: {  	[tilespmem:s9], [sflag:$0x3] =	stream.linear.gather [hbm4b:s18+s5], $0x80, $0x38;
	[tilespmem:$0x1C500] =	vst v63  }
0x3a: {  	s19 =	rddreg [dreg:$0xc]  }
0x3b: {  	[tilespmem:s5], [sflag:$0x1] =	stream.linear.gather [hbm4b:s19+s5], $0x4000, $0x38;
	[tilespmem:$0x1C500] =	vst v63  }
0x3c: {  	s21 =	simm.s32 $0x8080;
	s20 =	rddreg [dreg:$0xd]  }
0x3d: {  	[tilespmem:s21], [sflag:$0x4] =	stream.linear.gather [hbm4b:s20+s5], $0x80, $0x38;
	[tilespmem:$0x1C500] =	vst v63  }
0x3e: {  	s24 =	simm.s32 $0x3;
	s23 =	rddreg [dreg:$0xe]  }
0x3f: {  	[tilespmem:s25], [sflag:$0x2] =	stream.linear.gather [hbm4b:s23+s5], $0x4000, $0x38;
	[tilespmem:$0x1C500] =	vst v63  }
0x40: {  	_ =	swait.ge [sflag:s24], $0x80  }
0x41: {  	[sflag:s24] =	ssyncset.done $0x0  }
0x42: {  	[sflag:s24] =	ssyncadd.s32 $0xFFFFFF80  }
0x43: {  	_ =	swait.ge [sflag:s28], $0x4000  }
0x44: {  	[sflag:s28] =	ssyncset.done $0x0  }
0x45: {  	[sflag:s28] =	ssyncadd.s32 $0xFFFFC000  }
0x46: {  	[spmem:s3] =	stream.indirect.scatter.add.f32 [tilespmem:s5], [sflag:$0xB], $0x80, s9, s29, $0xb8;
	[tilespmem:$0x1C500] =	vst v63  }
0x47: {  	_ =	swait.ge [sflag:s22], $0x4000  }
0x48: {  	p2 =	por $0x0, $0x0;
	[sflag:s22] =	ssyncset.done $0x0  }
0x49: {  	s15 =	simm.s32 @p2 $0x2000;
	s14 =	simm.s32 @p2 $0x9;
	[sflag:s22] =	ssyncadd.s32 $0xFFFFC000  }
0x4a: {  	s15 =	simm.s32 @!p2 $0x2000;
	s17 =	simm.s32 @!p2 $0x8200;
	_ =	swait.ge @p2 [sflag:s14], $0x80  }
0x4b: {  	s15 =	sor.u32 s10, s15;
	s18 =	simm.s32 @p2 $0x8200;
	[sflag:s14] =	ssyncset.done @p2 $0x0  }
0x4c: {  	s19 =	simm.s32 @p2 $0x8000;
	[sflag:s14] =	ssyncadd.s32 @p2 $0xFFFFFF80;
	s14 =	simm.s32 @p2 $0x80  }
0x4d: {  	[spmem:s4] =	stream.indirect.scatter.add.f32 @p2 [tilespmem:s18], [sflag:$0x7], $0x1, s19, s14, $0xb8;
	[tilespmem:$0x1C500] =	vst v63  }
0x4e: {  	s0 =	sshrl.u32 s15, $0x3;
	s20 =	simm.s32 @!p2 $0x8000;
	s19 =	simm.s32 @!p2 $0x80  }
0x4f: {  	[spmem:s4] =	stream.indirect.scatter.add.f32 @!p2 [tilespmem:s17], [sflag:$0x7], $0x1, s20, s19, $0xb8;
	[tilespmem:$0x1C500] =	vst v63  }
0x50: {  	s15 =	sshll.u32 s15, $0x4;
	s20 =	sadd.s32 s26, s0  }
0x51: {  	[tilespmem:s6], [sflag:$0x5] =	stream.linear.gather [hbm4b:s20+s5], $0x80, $0x38;
	[tilespmem:$0x1C500] =	vst v63  }
0x52: {  	s15 =	sadd.s32 s1, s15  }
0x53: {  	[tilespmem:s5], [sflag:$0x1] =	stream.linear.gather [hbm4b:s15+s5], $0x4000, $0x38;
	[tilespmem:$0x1C500] =	vst v63  }
0x54: {  	s15 =	simm.s32 $0x4  }
0x55: {  	_ =	swait.ge [sflag:s15], $0x80  }
0x56: {  	[sflag:s15] =	ssyncset.done $0x0  }
0x57: {  	[sflag:s15] =	ssyncadd.s32 $0xFFFFFF80  }
0x58: {  	_ =	swait.ge [sflag:s2], $0x4000  }
0x59: {  	[sflag:s2] =	ssyncset.done $0x0  }
0x5a: {  	[sflag:s2] =	ssyncadd.s32 $0xFFFFC000  }
0x5b: {  	[spmem:s3] =	stream.indirect.scatter.add.f32 [tilespmem:s25], [sflag:$0xB], $0x80, s21, s29, $0xb8;
	[tilespmem:$0x1C500] =	vst v63  }
0x5c: {  	_ =	swait.ge [sflag:s22], $0x4000  }
0x5d: {  	[sflag:s22] =	ssyncset.done $0x0  }
0x5e: {  	s15 =	simm.s32 @p2 $0xA;
	[sflag:s22] =	ssyncadd.s32 $0xFFFFC000  }
0x5f: {  	_ =	swait.ge @p2 [sflag:s15], $0x80  }
0x60: {  	[sflag:s15] =	ssyncset.done @p2 $0x0  }
0x61: {  	[sflag:s15] =	ssyncadd.s32 @p2 $0xFFFFFF80;
	s15 =	simm.s32 @p2 $0x8080  }
0x62: {  	[spmem:s4] =	stream.indirect.scatter.add.f32 @p2 [tilespmem:s18], [sflag:$0x8], $0x1, s15, s14, $0xb8;
	[tilespmem:$0x1C500] =	vst v63  }
0x63: {  	s14 =	simm.s32 @p2 $0x3000  }
0x64: {  	s14 =	simm.s32 @!p2 $0x3000  }
0x65: {  	s18 =	simm.s32 @!p2 $0x8080;
	s14 =	sor.u32 s10, s14  }
0x66: {  	[spmem:s4] =	stream.indirect.scatter.add.f32 @!p2 [tilespmem:s17], [sflag:$0x8], $0x1, s18, s19, $0xb8;
	[tilespmem:$0x1C500] =	vst v63  }
0x67: {  	s20 =	sshrl.u32 s14, $0x3  }
0x68: {  	s14 =	sshll.u32 s14, $0x4;
	s15 =	sadd.s32 s26, s20  }
0x69: {  	[tilespmem:s7], [sflag:$0x6] =	stream.linear.gather [hbm4b:s15+s5], $0x80, $0x38;
	[tilespmem:$0x1C500] =	vst v63  }
0x6a: {  	s14 =	sadd.s32 s1, s14  }
0x6b: {  	[tilespmem:s25], [sflag:$0x2] =	stream.linear.gather [hbm4b:s14+s5], $0x4000, $0x38;
	[tilespmem:$0x1C500] =	vst v63  }
0x6c: {  	_ =	swait.ge [sflag:s16], $0x80  }
0x6d: {  	[sflag:s16] =	ssyncset.done $0x0  }
0x6e: {  	[sflag:s16] =	ssyncadd.s32 $0xFFFFFF80  }
0x6f: {  	_ =	swait.ge [sflag:s28], $0x4000  }
0x70: {  	[sflag:s28] =	ssyncset.done $0x0  }
0x71: {  	[sflag:s28] =	ssyncadd.s32 $0xFFFFC000  }
0x72: {  	[spmem:s3] =	stream.indirect.scatter.add.f32 [tilespmem:s5], [sflag:$0xB], $0x80, s6, s29, $0xb8;
	[tilespmem:$0x1C500] =	vst v63  }
0x73: {  	_ =	swait.ge [sflag:s22], $0x4000  }
0x74: {  	[sflag:s22] =	ssyncset.done $0x0  }
0x75: {  	[sflag:s22] =	ssyncadd.s32 $0xFFFFC000  }
0x76: {  	_ =	swait.ge [sflag:s8], $0x80  }
0x77: {  	[sflag:s8] =	ssyncset.done $0x0;
	s21 =	rddreg [dreg:$0x6]  }
0x78: {  	s23 =	simm.s32 $0x8200;
	[sflag:s8] =	ssyncadd.s32 $0xFFFFFF80;
	s14 =	sadd.s32 $0x0, s21  }
0x79: {  	[spmem:s4] =	stream.indirect.scatter.add.f32 [tilespmem:s23], [sflag:$0x9], $0x1, s6, s29, $0xb8;
	[tilespmem:$0x1C500] =	vst v63  }
0x7a: {  	s14 =	sshrl.u32 s14, $0x3  }
0x7b: {  	s14 =	sadd.s32 s26, s14  }
0x7c: {  	[tilespmem:s9], [sflag:$0x3] =	stream.linear.gather [hbm4b:s14+s5], $0x80, $0x38;
	[tilespmem:$0x1C500] =	vst v63  }
0x7d: {  	s24 =	rddreg [dreg:$0x14]  }
0x7e: {  	[tilespmem:s5], [sflag:$0x1] =	stream.linear.gather [hbm4b:s24+s5], $0x4000, $0x38;
	[tilespmem:$0x1C500] =	vst v63  }
0x7f: {  	_ =	swait.ge [sflag:s12], $0x80  }
0x80: {  	[sflag:s12] =	ssyncset.done $0x0  }
0x81: {  	[sflag:s12] =	ssyncadd.s32 $0xFFFFFF80  }
0x82: {  	_ =	swait.ge [sflag:s2], $0x4000  }
0x83: {  	[sflag:s2] =	ssyncset.done $0x0  }
0x84: {  	[sflag:s2] =	ssyncadd.s32 $0xFFFFC000  }
0x85: {  	[spmem:s3] =	stream.indirect.scatter.add.f32 [tilespmem:s25], [sflag:$0xB], $0x80, s7, s29, $0xb8;
	[tilespmem:$0x1C500] =	vst v63  }
0x86: {  	_ =	swait.ge [sflag:s22], $0x4000  }
0x87: {  	[sflag:s22] =	ssyncset.done $0x0  }
0x88: {  	[sflag:s22] =	ssyncadd.s32 $0xFFFFC000  }
0x89: {  	s19 =	simm.s32 $0x4000;
	s15 =	sadd.s32 $0x40000, s24;
	_ =	swait.ge [sflag:s13], $0x80  }
0x8a: {  	s6 =	simm.s32 $0x8100;
	[sflag:s13] =	ssyncset.done $0x0;
	s20 =	rddreg [dreg:$0x15]  }
0x8b: {  	s14 =	sadd.s32 $0x10000, s24;
	[sflag:s13] =	ssyncadd.s32 $0xFFFFFF80;
	s21 =	sadd.s32 $0x800, s20  }
0x8c: {  	[spmem:s4] =	stream.indirect.scatter.add.f32 [tilespmem:s23], [sflag:$0xA], $0x1, s7, s29, $0xb8;
	[tilespmem:$0x1C500] =	vst v63  }
.LBB2_2:
0x8d: {  	[tilespmem:s31], [sflag:$0x4] =	stream.linear.gather [hbm4b:s20+s5], $0x80, $0x38;
	[tilespmem:$0x1C500] =	vst v63  }
0x8e: {  	s0 =	simm.s32 $0x3  }
0x8f: {  	[tilespmem:s25], [sflag:$0x2] =	stream.linear.gather [hbm4b:s14+s5], $0x4000, $0x38;
	[tilespmem:$0x1C500] =	vst v63  }
0x90: {  	_ =	swait.ge [sflag:s0], $0x80  }
0x91: {  	[sflag:s0] =	ssyncset.done $0x0  }
0x92: {  	[sflag:s0] =	ssyncadd.s32 $0xFFFFFF80  }
0x93: {  	_ =	swait.ge [sflag:s28], $0x4000  }
0x94: {  	[sflag:s28] =	ssyncset.done $0x0  }
0x95: {  	[sflag:s28] =	ssyncadd.s32 $0xFFFFC000  }
0x96: {  	[spmem:s3] =	stream.indirect.scatter.add.f32 [tilespmem:s5], [sflag:$0xB], $0x80, s30, s29, $0xb8;
	[tilespmem:$0x1C500] =	vst v63  }
0x97: {  	s18 =	sadd.s32 $0x10000, s15;
	s17 =	smov.u32 s19;
	_ =	swait.ge [sflag:s22], $0x4000  }
0x98: {  	p3 =	sne.s32 s17, $0x0;
	s14 =	smov.u32 s18;
	[sflag:s22] =	ssyncset.done $0x0  }
0x99: {  	s9 =	simm.s32 @p3 $0x9;
	s16 =	sadd.s32 @p3 $0x2000, s17;
	[sflag:s22] =	ssyncadd.s32 $0xFFFFC000  }
0x9a: {  	s18 =	simm.s32 @!p3 $0x8200;
	s16 =	simm.s32 @!p3 $0x2000;
	_ =	swait.ge @p3 [sflag:s9], $0x80  }
0x9b: {  	s23 =	simm.s32 @p3 $0x8000;
	s16 =	sor.u32 s10, s16;
	[sflag:s9] =	ssyncset.done @p3 $0x0  }
0x9c: {  	s0 =	simm.s32 @p3 $0x8200;
	[sflag:s9] =	ssyncadd.s32 @p3 $0xFFFFFF80;
	s9 =	simm.s32 @p3 $0x80  }
0x9d: {  	[spmem:s4] =	stream.indirect.scatter.add.f32 @p3 [tilespmem:s0], [sflag:$0x7], $0x1, s23, s9, $0xb8;
	[tilespmem:$0x1C500] =	vst v63  }
0x9e: {  	s24 =	simm.s32 @!p3 $0x8000;
	s11 =	sshrl.u32 s16, $0x3;
	s23 =	simm.s32 @!p3 $0x80  }
0x9f: {  	[spmem:s4] =	stream.indirect.scatter.add.f32 @!p3 [tilespmem:s18], [sflag:$0x7], $0x1, s24, s23, $0xb8;
	[tilespmem:$0x1C500] =	vst v63  }
0xa0: {  	s16 =	sshll.u32 s16, $0x4;
	s11 =	sadd.s32 s26, s11  }
0xa1: {  	[tilespmem:s6], [sflag:$0x5] =	stream.linear.gather [hbm4b:s11+s5], $0x80, $0x38;
	[tilespmem:$0x1C500] =	vst v63  }
0xa2: {  	s7 =	simm.s32 $0x4;
	s16 =	sadd.s32 s1, s16  }
0xa3: {  	[tilespmem:s5], [sflag:$0x1] =	stream.linear.gather [hbm4b:s16+s5], $0x4000, $0x38;
	[tilespmem:$0x1C500] =	vst v63  }
0xa4: {  	_ =	swait.ge [sflag:s7], $0x80  }
0xa5: {  	[sflag:s7] =	ssyncset.done $0x0  }
0xa6: {  	[sflag:s7] =	ssyncadd.s32 $0xFFFFFF80  }
0xa7: {  	_ =	swait.ge [sflag:s2], $0x4000  }
0xa8: {  	s24 =	sadd.s32 @p3 $0x3000, s17;
	[sflag:s2] =	ssyncset.done $0x0  }
0xa9: {  	s24 =	simm.s32 @!p3 $0x3000;
	[sflag:s2] =	ssyncadd.s32 $0xFFFFC000  }
0xaa: {  	[spmem:s3] =	stream.indirect.scatter.add.f32 [tilespmem:s25], [sflag:$0xB], $0x80, s31, s29, $0xb8;
	[tilespmem:$0x1C500] =	vst v63  }
0xab: {  	s24 =	sor.u32 s10, s24;
	_ =	swait.ge [sflag:s22], $0x4000  }
0xac: {  	s11 =	sshll.u32 s24, $0x4;
	[sflag:s22] =	ssyncset.done $0x0  }
0xad: {  	s16 =	sshrl.u32 s24, $0x3;
	s24 =	simm.s32 @p3 $0xA;
	[sflag:s22] =	ssyncadd.s32 $0xFFFFC000  }
0xae: {  	_ =	swait.ge @p3 [sflag:s24], $0x80  }
0xaf: {  	[sflag:s24] =	ssyncset.done @p3 $0x0  }
0xb0: {  	[sflag:s24] =	ssyncadd.s32 @p3 $0xFFFFFF80;
	s24 =	simm.s32 @p3 $0x8080  }
0xb1: {  	[spmem:s4] =	stream.indirect.scatter.add.f32 @p3 [tilespmem:s0], [sflag:$0x8], $0x1, s24, s9, $0xb8;
	[tilespmem:$0x1C500] =	vst v63  }
0xb2: {  	s0 =	simm.s32 @!p3 $0x8080  }
0xb3: {  	[spmem:s4] =	stream.indirect.scatter.add.f32 @!p3 [tilespmem:s18], [sflag:$0x8], $0x1, s0, s23, $0xb8;
	[tilespmem:$0x1C500] =	vst v63  }
0xb4: {  	s7 =	simm.s32 $0x8180;
	s9 =	sadd.s32 s26, s16  }
0xb5: {  	[tilespmem:s7], [sflag:$0x6] =	stream.linear.gather [hbm4b:s9+s5], $0x80, $0x38;
	[tilespmem:$0x1C500] =	vst v63  }
0xb6: {  	s16 =	simm.s32 $0x5;
	s18 =	sadd.s32 s1, s11  }
0xb7: {  	[tilespmem:s25], [sflag:$0x2] =	stream.linear.gather [hbm4b:s18+s5], $0x4000, $0x38;
	[tilespmem:$0x1C500] =	vst v63  }
0xb8: {  	_ =	swait.ge [sflag:s16], $0x80  }
0xb9: {  	[sflag:s16] =	ssyncset.done $0x0  }
0xba: {  	[sflag:s16] =	ssyncadd.s32 $0xFFFFFF80  }
0xbb: {  	_ =	swait.ge [sflag:s28], $0x4000  }
0xbc: {  	[sflag:s28] =	ssyncset.done $0x0  }
0xbd: {  	[sflag:s28] =	ssyncadd.s32 $0xFFFFC000  }
0xbe: {  	[spmem:s3] =	stream.indirect.scatter.add.f32 [tilespmem:s5], [sflag:$0xB], $0x80, s6, s29, $0xb8;
	[tilespmem:$0x1C500] =	vst v63  }
0xbf: {  	_ =	swait.ge [sflag:s22], $0x4000  }
0xc0: {  	[sflag:s22] =	ssyncset.done $0x0  }
0xc1: {  	[sflag:s22] =	ssyncadd.s32 $0xFFFFC000  }
0xc2: {  	_ =	swait.ge [sflag:s8], $0x80  }
0xc3: {  	[sflag:s8] =	ssyncset.done $0x0;
	s23 =	rddreg [dreg:$0x6]  }
0xc4: {  	s24 =	simm.s32 $0x8200;
	[sflag:s8] =	ssyncadd.s32 $0xFFFFFF80;
	s0 =	sadd.s32 s17, s23  }
0xc5: {  	[spmem:s4] =	stream.indirect.scatter.add.f32 [tilespmem:s24], [sflag:$0x9], $0x1, s6, s29, $0xb8;
	[tilespmem:$0x1C500] =	vst v63  }
0xc6: {  	s0 =	sshrl.u32 s0, $0x3  }
0xc7: {  	s0 =	sadd.s32 s26, s0  }
0xc8: {  	[tilespmem:s30], [sflag:$0x3] =	stream.linear.gather [hbm4b:s0+s5], $0x80, $0x38;
	[tilespmem:$0x1C500] =	vst v63  }
0xc9: {  	_ = 	snop  }
0xca: {  	[tilespmem:s5], [sflag:$0x1] =	stream.linear.gather [hbm4b:s15+s5], $0x4000, $0x38;
	[tilespmem:$0x1C500] =	vst v63  }
0xcb: {  	_ =	swait.ge [sflag:s12], $0x80  }
0xcc: {  	[sflag:s12] =	ssyncset.done $0x0  }
0xcd: {  	[sflag:s12] =	ssyncadd.s32 $0xFFFFFF80  }
0xce: {  	_ =	swait.ge [sflag:s2], $0x4000  }
0xcf: {  	[sflag:s2] =	ssyncset.done $0x0  }
0xd0: {  	[sflag:s2] =	ssyncadd.s32 $0xFFFFC000  }
0xd1: {  	[spmem:s3] =	stream.indirect.scatter.add.f32 [tilespmem:s25], [sflag:$0xB], $0x80, s7, s29, $0xb8;
	[tilespmem:$0x1C500] =	vst v63  }
0xd2: {  	s19 =	sadd.s32 $0x4000, s19;
	_ =	swait.ge [sflag:s22], $0x4000  }
0xd3: {  	p2 =	sne.s32 s19, $0x4C000;
	[sflag:s22] =	ssyncset.done $0x0  }
.Ltmp0:
0xd4: {  	[sflag:s22] =	ssyncadd.s32 $0xFFFFC000;
	(pc) =	sbr.rel @p2 .LBB2_2-.Ltmp0, $4  }
0xd5: {  	_ =	swait.ge [sflag:s13], $0x80  }
0xd6: {  	s20 =	smov.u32 s21;
	[sflag:s13] =	ssyncset.done $0x0  }
0xd7: {  	s21 =	sadd.s32 $0x800, s21;
	s15 =	sadd.s32 $0x40000, s15;
	[sflag:s13] =	ssyncadd.s32 $0xFFFFFF80  }
0xd8: {  	[spmem:s4] =	stream.indirect.scatter.add.f32 [tilespmem:s24], [sflag:$0xA], $0x1, s7, s29, $0xb8;
	[tilespmem:$0x1C500] =	vst v63  }
0xd9: {  	s9 =	simm.s32 $0x8080  }
0xda: {  	[tilespmem:s9], [sflag:$0x4] =	stream.linear.gather [hbm4b:s20+s5], $0x80, $0x38;
	[tilespmem:$0x1C500] =	vst v63  }
0xdb: {  	s0 =	simm.s32 $0x3  }
0xdc: {  	[tilespmem:s25], [sflag:$0x2] =	stream.linear.gather [hbm4b:s14+s5], $0x4000, $0x38;
	[tilespmem:$0x1C500] =	vst v63  }
0xdd: {  	_ =	swait.ge [sflag:s0], $0x80  }
0xde: {  	[sflag:s0] =	ssyncset.done $0x0  }
0xdf: {  	[sflag:s0] =	ssyncadd.s32 $0xFFFFFF80  }
0xe0: {  	_ =	swait.ge [sflag:s28], $0x4000  }
0xe1: {  	[sflag:s28] =	ssyncset.done $0x0  }
0xe2: {  	s15 =	simm.s32 $0x8000;
	[sflag:s28] =	ssyncadd.s32 $0xFFFFC000  }
0xe3: {  	[spmem:s3] =	stream.indirect.scatter.add.f32 [tilespmem:s5], [sflag:$0xB], $0x80, s15, s29, $0xb8;
	[tilespmem:$0x1C500] =	vst v63  }
0xe4: {  	_ =	swait.ge [sflag:s22], $0x4000  }
0xe5: {  	[sflag:s22] =	ssyncset.done $0x0  }
0xe6: {  	s6 =	simm.s32 $0x9;
	[sflag:s22] =	ssyncadd.s32 $0xFFFFC000  }
0xe7: {  	_ =	swait.ge [sflag:s6], $0x80  }
0xe8: {  	[sflag:s6] =	ssyncset.done $0x0  }
0xe9: {  	s17 =	simm.s32 $0x8200;
	s18 =	simm.s32 $0x4;
	[sflag:s6] =	ssyncadd.s32 $0xFFFFFF80  }
0xea: {  	[spmem:s4] =	stream.indirect.scatter.add.f32 [tilespmem:s17], [sflag:$0x7], $0x1, s15, s29, $0xb8;
	[tilespmem:$0x1C500] =	vst v63  }
0xeb: {  	_ =	swait.ge [sflag:s18], $0x80  }
0xec: {  	[sflag:s18] =	ssyncset.done $0x0  }
0xed: {  	[sflag:s18] =	ssyncadd.s32 $0xFFFFFF80  }
0xee: {  	_ =	swait.ge [sflag:s2], $0x4000  }
0xef: {  	[sflag:s2] =	ssyncset.done $0x0  }
0xf0: {  	[sflag:s2] =	ssyncadd.s32 $0xFFFFC000  }
0xf1: {  	[spmem:s3] =	stream.indirect.scatter.add.f32 [tilespmem:s25], [sflag:$0xB], $0x80, s9, s29, $0xb8;
	[tilespmem:$0x1C500] =	vst v63  }
0xf2: {  	_ =	swait.ge [sflag:s22], $0x4000  }
0xf3: {  	[sflag:s22] =	ssyncset.done $0x0  }
0xf4: {  	s19 =	simm.s32 $0xA;
	[sflag:s22] =	ssyncadd.s32 $0xFFFFC000  }
0xf5: {  	_ =	swait.ge [sflag:s19], $0x80  }
0xf6: {  	[sflag:s19] =	ssyncset.done $0x0  }
0xf7: {  	[sflag:s19] =	ssyncadd.s32 $0xFFFFFF80  }
0xf8: {  	[spmem:s4] =	stream.indirect.scatter.add.f32 [tilespmem:s17], [sflag:$0x8], $0x1, s9, s29, $0xb8;
	[tilespmem:$0x1C500] =	vst v63  }
0xf9: {  	_ =	swait.ge [sflag:s8], $0x80  }
0xfa: {  	[sflag:s8] =	ssyncset.done $0x0  }
0xfb: {  	[sflag:s8] =	ssyncadd.s32 $0xFFFFFF80  }
0xfc: {  	_ =	swait.ge [sflag:s13], $0x80  }
0xfd: {  	s0 =	simm.s32 @!p1 $0x0;
	[sflag:s13] =	ssyncset.done $0x0  }
0xfe: {  	s9 =	simm.s32 @!p1 $0x8000;
	s11 =	rddreg [dreg:$0xf];
	[sflag:s13] =	ssyncadd.s32 $0xFFFFFF80  }
0xff: {  	[tilespmem:s9], [sflag:$0xB] =	stream.linear.gather @!p1 [hbm4b:s11+s0], $0x80, $0x38;
	[tilespmem:$0x1C500] =	vst v63  }
0x100: {  	s11 =	simm.s32 @!p1 $0xB  }
0x101: {  	_ =	swait.ge @!p1 [sflag:s11], $0x80  }
0x102: {  	[sflag:s11] =	ssyncset.done @!p1 $0x0  }
0x103: {  	s14 =	rddreg [dreg:$0x10];
	[sflag:s11] =	ssyncadd.s32 @!p1 $0xFFFFFF80  }
0x104: {  	[tilespmem:s0], [sflag:$0xB] =	stream.linear.gather @!p1 [hbm4b:s14+s0], $0x4000, $0x38;
	[tilespmem:$0x1C500] =	vst v63  }
0x105: {  	_ =	swait.ge @!p1 [sflag:s11], $0x4000  }
0x106: {  	[sflag:s11] =	ssyncset.done @!p1 $0x0  }
0x107: {  	s14 =	simm.s32 @!p1 $0x80;
	[sflag:s11] =	ssyncadd.s32 @!p1 $0xFFFFC000  }
0x108: {  	[spmem:s3] =	stream.indirect.scatter.add.f32 @!p1 [tilespmem:s0], [sflag:$0xB], $0x80, s9, s14, $0xb8;
	[tilespmem:$0x1C500] =	vst v63  }
0x109: {  	_ =	swait.ge @!p1 [sflag:s11], $0x4000  }
0x10a: {  	[sflag:s11] =	ssyncset.done @!p1 $0x0  }
0x10b: {  	s0 =	simm.s32 @!p1 $0x8200;
	[sflag:s11] =	ssyncadd.s32 @!p1 $0xFFFFC000  }
0x10c: {  	[spmem:s4] =	stream.indirect.scatter.add.f32 @!p1 [tilespmem:s0], [sflag:$0xB], $0x1, s9, s14, $0xb8;
	[tilespmem:$0x1C500] =	vst v63  }
0x10d: {  	_ =	swait.ge @!p1 [sflag:s11], $0x80  }
0x10e: {  	[sflag:s11] =	ssyncset.done @!p1 $0x0  }
0x10f: {  	[sflag:s11] =	ssyncadd.s32 @!p1 $0xFFFFFF80  }
0x110: {  	[bflag:$0x0] =	sbarrier.arrive $0xFFFF  }
0x111: {  	s9 =	rddreg [dreg:$0xa]  }
0x112: {  	s20 =	rddreg [dreg:$0x11]  }
0x113: {  	s21 =	rddreg [dreg:$0x17]  }
0x114: {  	[hbm:s20], [sflag:s9] =	dma.local [spmem:s21], $0x2800  }
0x115: {  	_ =	swait.ge [sflag:s22], $0x2800  }
0x116: {  	[sflag:s22] =	ssyncset.done $0x0;
	s0 =	rddreg [dreg:$0x12]  }
0x117: {  	s6 =	rddreg [dreg:$0x18];
	[sflag:s22] =	ssyncadd.s32 $0xFFFFD800  }
0x118: {  	[hbm:s0], [sflag:s9] =	dma.local @!p0 [spmem:s6], $0x500  }
0x119: {  	s0 =	simm.s32 @!p0 $0xB  }
0x11a: {  	_ =	swait.ge @!p0 [sflag:s0], $0x500  }
0x11b: {  	s23 =	rddreg [dreg:$0x16]  }
0x11c: {  	s24 =	rddreg [dreg:$0x13];
	s14 =	sadd.s32 $0x1, s23  }
0x11d: {  	p2 =	sne.s32 s14, s24  }
.Ltmp1:
0x11e: {  	_ = 	snop;
	(pc) =	sbr.rel @p2 .LBB2_1-.Ltmp1, $3  }
0x11f: {  	_ =	sdelay $0x1  }
0x120: {  	[sflag:s0] =	ssyncset.done @!p0 $0x0  }
0x121: {  	s6 =	simm.s32 $0x8100;
	[sflag:s0] =	ssyncadd.s32 @!p0 $0xFFFFFB00  }
0x122: {  	_ =	sfence.sel $0x180000  }
0x123: {  	[bflag:$0x0] =	sbarrier.arrive $0xFFFF  }
0x124: {  	_ =	strace $0x90000047  }
0x125: {  	[bflag:$0x2] =	sbarrier.arrive $0xFFFF  }
0x126: {  	s0 =	rddreg [dreg:$0x5]  }
0x127: {  	s0 =	sadd.s32 @!p0 $0x100000, s0  }
0x128: {  	[sflag:s0] =	ssyncadd.tile.s32 @!p0 $0x1;
	_ =	shalt  }
.Lfunc_end2:
_tile_overlayer_lowered:
.L_overlay_start_2:
0x129: {  	(tag) =	ssettag $0x2  }
0x12a: {  	s0 =	rddreg [dreg:$0x0];
	s2 =	stileid.u32  }
0x12b: {  	s1 =	rddreg [dreg:$0x1];
	p0 =	sne.s32 s2, $0x0  }
0x12c: {  	s3 =	rddreg [dreg:$0x2];
	[bflag:$0x3] =	sbarrier.arrive $0xFFFF;
	s2 =	simm.s32 @!p0 $0x1C0B  }
0x12d: {  	[timem:s3], [sflag:s2] =	dma.local @!p0 [hbm:s0], s1  }
0x12e: {  	s0 =	simm.s32 @!p0 $0xB  }
0x12f: {  	_ =	swait.ge @!p0 [sflag:s0], s1  }
0x130: {  	s1 =	ssub.s32 @!p0 $0x0, s1;
	[sflag:s0] =	ssyncset.done @!p0 $0x0  }
0x131: {  	[sflag:s0] =	ssyncadd.s32 @!p0 s1  }
0x132: {  	[bflag:$0x3] =	sbarrier.arrive $0xFFFF  }
0x133: {  	_ =	shalt  }

</sc_bundles>
